<compile_context>
chip_gen: v7x
topology: tpu7x:2x2x1
jax: 0.10.2.dev20260603
libtpu: 0.0.44.dev20260713+nightly
codegen_flags: <defaults>
</compile_context>

<pallas_src>
import functools

import jax
import jax.numpy as jnp
from jax import lax
from jax.experimental import pallas as pl
from jax.experimental.pallas import tpu as pltpu
from jax.experimental.pallas import tpu_sc as plsc

_NUM_CORES = 2
_NUM_SUBCORES = 16
_NUM_WORKERS = _NUM_CORES * _NUM_SUBCORES
_CHUNK = 128
_NB = 8
_AHEAD = 4


@functools.partial(jax.jit, static_argnums=(2, 3))
def _sc_gather(idx, table, n_chunks, d):
    mesh = plsc.VectorSubcoreMesh(core_axis_name="c", subcore_axis_name="s")

    @functools.partial(
        pl.kernel,
        mesh=mesh,
        out_type=jax.ShapeDtypeStruct(
            (_NUM_WORKERS * n_chunks, _CHUNK, d), jnp.float32
        ),
        scratch_types=[
            pltpu.VMEM((n_chunks, _CHUNK), jnp.int32),
            pltpu.VMEM((_NB, _CHUNK, d), jnp.float32),
        ] + [pltpu.SemaphoreType.DMA] * (2 * _NB),
        compiler_params=pltpu.CompilerParams(use_tc_tiling_on_sc=False),
        cost_estimate=pl.CostEstimate(
            flops=0, transcendentals=0, bytes_accessed=220_000_000
        ),
    )
    def k(idx_hbm, table_hbm, out_hbm, idx_v, rows_v, *sems):
        gsems = sems[:_NB]
        wsems = sems[_NB:]
        wid = lax.axis_index("s") * _NUM_CORES + lax.axis_index("c")
        base = wid * n_chunks
        pltpu.sync_copy(idx_hbm.at[wid], idx_v)

        for b in range(_NB):
            pltpu.async_copy(table_hbm.at[idx_v.at[b]], rows_v.at[b], gsems[b])

        def group(g, carry):
            j0 = g * _NB
            for b in range(_NB):
                j = j0 + b
                pltpu.make_async_copy(
                    table_hbm.at[idx_v.at[j]], rows_v.at[b], gsems[b]
                ).wait()
                pltpu.async_copy(rows_v.at[b], out_hbm.at[base + j], wsems[b])
                jmid = j - _AHEAD
                bmid = (b - _AHEAD) % _NB

                @pl.when(jnp.logical_and(jmid >= 0, jmid + _NB < n_chunks))
                def _():
                    pltpu.make_async_copy(
                        rows_v.at[bmid], out_hbm.at[base], wsems[bmid]
                    ).wait()
                    pltpu.async_copy(
                        table_hbm.at[idx_v.at[jmid + _NB]],
                        rows_v.at[bmid],
                        gsems[bmid],
                    )

            return carry

        lax.fori_loop(0, n_chunks // _NB, group, 0)

        for b in range(_NB):
            pltpu.make_async_copy(
                rows_v.at[b], out_hbm.at[base], wsems[b]
            ).wait()

    return k(idx, table)


def kernel(x, weight):
    b, f = x.shape
    v, d = weight.shape
    bf = b * f
    assert bf % (_NUM_WORKERS * _CHUNK * _NB) == 0
    n_chunks = bf // (_NUM_WORKERS * _CHUNK)
    idx = x.reshape(_NUM_WORKERS, n_chunks, _CHUNK).astype(jnp.int32)
    out = _sc_gather(idx, weight, n_chunks, d)
    return out.reshape(b, f, d)

# --- scband reference (transcript-rebuilt; emitter-appended) ---
"""Pipeline reference for scband-embedding-74062416053319 (READ-ONLY COPY).

The authoritative reference and input builder live on the scoring server;
editing this copy changes nothing except your own understanding.
"""

import jax, jax.numpy as jnp
import numpy as np

NUM_EMBEDDINGS = 1000000
EMBEDDING_DIM = 64
BATCH = 16384
FIELDS = 26

def setup_inputs(seed: int = 0) -> dict:
    key = jax.random.key(seed)
    k_idx, k_w = jax.random.split(key)
    x = jax.random.randint(k_idx, (BATCH, FIELDS), 0, NUM_EMBEDDINGS, dtype=jnp.int64 if jax.config.jax_enable_x64 else jnp.int32)
    weight = jax.random.normal(k_w, (NUM_EMBEDDINGS, EMBEDDING_DIM), dtype=jnp.float32)
    return {"x": x, "weight": weight}

def reference(x, weight):
    # Single-device equivalent of the tensor-parallel Embedding forward:
    # ForwardGather of depth-sharded weight -> full [num_embeddings, embedding_dim];
    # F.embedding(x, weight) -> gather rows; Gather over outer group -> identity at world_size=1.
    out = jnp.take(weight, x, axis=0)
    return out

if __name__ == "__main__":
    import jax
    _d = setup_inputs()
    print(jax.jit(kernel)(*tuple(_d.values())))

</pallas_src>

<mosaic_0001>
#map = affine_map<(d0, d1) -> (0, 0, 0)>
#map1 = affine_map<(d0, d1) -> (0, 0)>
module attributes {stable_mosaic.version = 14 : i64} {
  func.func @k(%arg0: i32, %arg1: i32, %arg2: memref<32x104x128xi32, #tpu.memory_space<hbm>>, %arg3: memref<1000000x64xf32, #tpu.memory_space<hbm>>, %arg4: memref<3328x128x64xf32, #tpu.memory_space<hbm>>, %arg5: memref<104x128xi32, #tpu.memory_space<vmem>>, %arg6: memref<8x128x64xf32, #tpu.memory_space<vmem>>, %arg7: memref<!tpu.dma_semaphore, #tpu.memory_space<semaphore_mem>>, %arg8: memref<!tpu.dma_semaphore, #tpu.memory_space<semaphore_mem>>, %arg9: memref<!tpu.dma_semaphore, #tpu.memory_space<semaphore_mem>>, %arg10: memref<!tpu.dma_semaphore, #tpu.memory_space<semaphore_mem>>, %arg11: memref<!tpu.dma_semaphore, #tpu.memory_space<semaphore_mem>>, %arg12: memref<!tpu.dma_semaphore, #tpu.memory_space<semaphore_mem>>, %arg13: memref<!tpu.dma_semaphore, #tpu.memory_space<semaphore_mem>>, %arg14: memref<!tpu.dma_semaphore, #tpu.memory_space<semaphore_mem>>, %arg15: memref<!tpu.dma_semaphore, #tpu.memory_space<semaphore_mem>>, %arg16: memref<!tpu.dma_semaphore, #tpu.memory_space<semaphore_mem>>, %arg17: memref<!tpu.dma_semaphore, #tpu.memory_space<semaphore_mem>>, %arg18: memref<!tpu.dma_semaphore, #tpu.memory_space<semaphore_mem>>, %arg19: memref<!tpu.dma_semaphore, #tpu.memory_space<semaphore_mem>>, %arg20: memref<!tpu.dma_semaphore, #tpu.memory_space<semaphore_mem>>, %arg21: memref<!tpu.dma_semaphore, #tpu.memory_space<semaphore_mem>>, %arg22: memref<!tpu.dma_semaphore, #tpu.memory_space<semaphore_mem>>) attributes {dimension_semantics = [#tpu.dimension_semantics<core_parallel>, #tpu.dimension_semantics<subcore_parallel>], iteration_bounds = array<i64: 2, 16>, scalar_prefetch = 0 : i64, scratch_operands = 18 : i64, tpu.core_type = #tpu.core_type<sc_vector_subcore>, window_params = [{transform_indices = #map}, {transform_indices = #map1}, {transform_indices = #map}]} {
    %mul3A = arith.constant 2 : i32
    %mul3A_0 = arith.muli %arg1, %mul3A : i32
    %add3A = arith.addi %mul3A_0, %arg0 : i32
    %mul3A_1 = arith.constant 104 : i32
    %mul3A_2 = arith.muli %add3A, %mul3A_1 : i32
    "tpu.region"() ({
      %run_scoped3A = tpu.sem_alloc : memref<!tpu.dma_semaphore, #tpu.memory_space<semaphore_mem>>
      %dma_start3A_238 = arith.constant 0 : i32
      %dma_start3A_239 = arith.constant 0 : i32
      %dma_start3A_240 = tpu.memref_slice %arg2[%add3A, %dma_start3A_238, %dma_start3A_239] : memref<32x104x128xi32, #tpu.memory_space<hbm>> -> memref<1x104x128xi32, #tpu.memory_space<hbm>>
      %dma_start3A_241 = tpu.memref_squeeze %dma_start3A_240 : memref<1x104x128xi32, #tpu.memory_space<hbm>> -> memref<104x128xi32, #tpu.memory_space<hbm>>
      %dma_start3A_242 = arith.constant 0 : i32
      %dma_start3A_243 = arith.constant 0 : i32
      %dma_start3A_244 = tpu.memref_slice %arg2[%add3A, %dma_start3A_242, %dma_start3A_243] : memref<32x104x128xi32, #tpu.memory_space<hbm>> -> memref<1x104x128xi32, #tpu.memory_space<hbm>>
      %dma_start3A_245 = tpu.memref_squeeze %dma_start3A_244 : memref<1x104x128xi32, #tpu.memory_space<hbm>> -> memref<104x128xi32, #tpu.memory_space<hbm>>
      tpu.enqueue_dma source(%dma_start3A_245 : memref<104x128xi32, #tpu.memory_space<hbm>>) target(%arg5 : memref<104x128xi32, #tpu.memory_space<vmem>>) target_semaphore(%run_scoped3A : memref<!tpu.dma_semaphore, #tpu.memory_space<semaphore_mem>>)
      %dma_wait3A_246 = arith.constant 0 : i32
      %dma_wait3A_247 = arith.constant 0 : i32
      %dma_wait3A_248 = tpu.memref_slice %arg2[%add3A, %dma_wait3A_246, %dma_wait3A_247] : memref<32x104x128xi32, #tpu.memory_space<hbm>> -> memref<1x104x128xi32, #tpu.memory_space<hbm>>
      %dma_wait3A_249 = tpu.memref_squeeze %dma_wait3A_248 : memref<1x104x128xi32, #tpu.memory_space<hbm>> -> memref<104x128xi32, #tpu.memory_space<hbm>>
      %dma_wait3A_250 = arith.constant 0 : i32
      %dma_wait3A_251 = arith.constant 0 : i32
      %dma_wait3A_252 = tpu.memref_slice %arg2[%add3A, %dma_wait3A_250, %dma_wait3A_251] : memref<32x104x128xi32, #tpu.memory_space<hbm>> -> memref<1x104x128xi32, #tpu.memory_space<hbm>>
      %dma_wait3A_253 = tpu.memref_squeeze %dma_wait3A_252 : memref<1x104x128xi32, #tpu.memory_space<hbm>> -> memref<104x128xi32, #tpu.memory_space<hbm>>
      tpu.wait_dma2 semaphore(%run_scoped3A : memref<!tpu.dma_semaphore, #tpu.memory_space<semaphore_mem>>) src(%dma_wait3A_253 : memref<104x128xi32, #tpu.memory_space<hbm>>) dst(%arg5 : memref<104x128xi32, #tpu.memory_space<vmem>>)
      tpu.yield
    }) : () -> ()
    %dma_start3A = arith.constant 0 : i32
    %dma_start3A_3 = arith.constant 0 : i32
    %dma_start3A_4 = arith.constant 0 : i32
    %dma_start3A_5 = arith.constant 0 : i32
    %dma_start3A_6 = tpu.memref_slice %arg6[%dma_start3A_3, %dma_start3A_4, %dma_start3A_5] : memref<8x128x64xf32, #tpu.memory_space<vmem>> -> memref<1x128x64xf32, #tpu.memory_space<vmem>>
    %dma_start3A_7 = tpu.memref_squeeze %dma_start3A_6 : memref<1x128x64xf32, #tpu.memory_space<vmem>> -> memref<128x64xf32, #tpu.memory_space<vmem>>
    %dma_start3A_8 = arith.constant 0 : i32
    %dma_start3A_9 = tpu.memref_slice %arg5[%dma_start3A, %dma_start3A_8] : memref<104x128xi32, #tpu.memory_space<vmem>> -> memref<1x128xi32, #tpu.memory_space<vmem>>
    %dma_start3A_10 = tpu.memref_squeeze %dma_start3A_9 : memref<1x128xi32, #tpu.memory_space<vmem>> -> memref<128xi32, #tpu.memory_space<vmem>>
    %dma_start3A_11 = arith.constant 0 : i32
    %dma_start3A_12 = arith.constant 0 : i32
    %dma_start3A_13 = tpu.memref_slice %arg3[%dma_start3A_11, %dma_start3A_12] : memref<1000000x64xf32, #tpu.memory_space<hbm>> -> memref<1000000x64xf32, #tpu.memory_space<hbm>>
    tpu.enqueue_indirect_dma source(%dma_start3A_13 : memref<1000000x64xf32, #tpu.memory_space<hbm>>) target(%dma_start3A_7 : memref<128x64xf32, #tpu.memory_space<vmem>>) offsets(%dma_start3A_10 : memref<128xi32, #tpu.memory_space<vmem>>) semaphore(%arg7 : memref<!tpu.dma_semaphore, #tpu.memory_space<semaphore_mem>>)
    %dma_start3A_14 = arith.constant 1 : i32
    %dma_start3A_15 = arith.constant 1 : i32
    %dma_start3A_16 = arith.constant 0 : i32
    %dma_start3A_17 = arith.constant 0 : i32
    %dma_start3A_18 = tpu.memref_slice %arg6[%dma_start3A_15, %dma_start3A_16, %dma_start3A_17] : memref<8x128x64xf32, #tpu.memory_space<vmem>> -> memref<1x128x64xf32, #tpu.memory_space<vmem>>
    %dma_start3A_19 = tpu.memref_squeeze %dma_start3A_18 : memref<1x128x64xf32, #tpu.memory_space<vmem>> -> memref<128x64xf32, #tpu.memory_space<vmem>>
    %dma_start3A_20 = arith.constant 0 : i32
    %dma_start3A_21 = tpu.memref_slice %arg5[%dma_start3A_14, %dma_start3A_20] : memref<104x128xi32, #tpu.memory_space<vmem>> -> memref<1x128xi32, #tpu.memory_space<vmem>>
    %dma_start3A_22 = tpu.memref_squeeze %dma_start3A_21 : memref<1x128xi32, #tpu.memory_space<vmem>> -> memref<128xi32, #tpu.memory_space<vmem>>
    %dma_start3A_23 = arith.constant 0 : i32
    %dma_start3A_24 = arith.constant 0 : i32
    %dma_start3A_25 = tpu.memref_slice %arg3[%dma_start3A_23, %dma_start3A_24] : memref<1000000x64xf32, #tpu.memory_space<hbm>> -> memref<1000000x64xf32, #tpu.memory_space<hbm>>
    tpu.enqueue_indirect_dma source(%dma_start3A_25 : memref<1000000x64xf32, #tpu.memory_space<hbm>>) target(%dma_start3A_19 : memref<128x64xf32, #tpu.memory_space<vmem>>) offsets(%dma_start3A_22 : memref<128xi32, #tpu.memory_space<vmem>>) semaphore(%arg8 : memref<!tpu.dma_semaphore, #tpu.memory_space<semaphore_mem>>)
    %dma_start3A_26 = arith.constant 2 : i32
    %dma_start3A_27 = arith.constant 2 : i32
    %dma_start3A_28 = arith.constant 0 : i32
    %dma_start3A_29 = arith.constant 0 : i32
    %dma_start3A_30 = tpu.memref_slice %arg6[%dma_start3A_27, %dma_start3A_28, %dma_start3A_29] : memref<8x128x64xf32, #tpu.memory_space<vmem>> -> memref<1x128x64xf32, #tpu.memory_space<vmem>>
    %dma_start3A_31 = tpu.memref_squeeze %dma_start3A_30 : memref<1x128x64xf32, #tpu.memory_space<vmem>> -> memref<128x64xf32, #tpu.memory_space<vmem>>
    %dma_start3A_32 = arith.constant 0 : i32
    %dma_start3A_33 = tpu.memref_slice %arg5[%dma_start3A_26, %dma_start3A_32] : memref<104x128xi32, #tpu.memory_space<vmem>> -> memref<1x128xi32, #tpu.memory_space<vmem>>
    %dma_start3A_34 = tpu.memref_squeeze %dma_start3A_33 : memref<1x128xi32, #tpu.memory_space<vmem>> -> memref<128xi32, #tpu.memory_space<vmem>>
    %dma_start3A_35 = arith.constant 0 : i32
    %dma_start3A_36 = arith.constant 0 : i32
    %dma_start3A_37 = tpu.memref_slice %arg3[%dma_start3A_35, %dma_start3A_36] : memref<1000000x64xf32, #tpu.memory_space<hbm>> -> memref<1000000x64xf32, #tpu.memory_space<hbm>>
    tpu.enqueue_indirect_dma source(%dma_start3A_37 : memref<1000000x64xf32, #tpu.memory_space<hbm>>) target(%dma_start3A_31 : memref<128x64xf32, #tpu.memory_space<vmem>>) offsets(%dma_start3A_34 : memref<128xi32, #tpu.memory_space<vmem>>) semaphore(%arg9 : memref<!tpu.dma_semaphore, #tpu.memory_space<semaphore_mem>>)
    %dma_start3A_38 = arith.constant 3 : i32
    %dma_start3A_39 = arith.constant 3 : i32
    %dma_start3A_40 = arith.constant 0 : i32
    %dma_start3A_41 = arith.constant 0 : i32
    %dma_start3A_42 = tpu.memref_slice %arg6[%dma_start3A_39, %dma_start3A_40, %dma_start3A_41] : memref<8x128x64xf32, #tpu.memory_space<vmem>> -> memref<1x128x64xf32, #tpu.memory_space<vmem>>
    %dma_start3A_43 = tpu.memref_squeeze %dma_start3A_42 : memref<1x128x64xf32, #tpu.memory_space<vmem>> -> memref<128x64xf32, #tpu.memory_space<vmem>>
    %dma_start3A_44 = arith.constant 0 : i32
    %dma_start3A_45 = tpu.memref_slice %arg5[%dma_start3A_38, %dma_start3A_44] : memref<104x128xi32, #tpu.memory_space<vmem>> -> memref<1x128xi32, #tpu.memory_space<vmem>>
    %dma_start3A_46 = tpu.memref_squeeze %dma_start3A_45 : memref<1x128xi32, #tpu.memory_space<vmem>> -> memref<128xi32, #tpu.memory_space<vmem>>
    %dma_start3A_47 = arith.constant 0 : i32
    %dma_start3A_48 = arith.constant 0 : i32
    %dma_start3A_49 = tpu.memref_slice %arg3[%dma_start3A_47, %dma_start3A_48] : memref<1000000x64xf32, #tpu.memory_space<hbm>> -> memref<1000000x64xf32, #tpu.memory_space<hbm>>
    tpu.enqueue_indirect_dma source(%dma_start3A_49 : memref<1000000x64xf32, #tpu.memory_space<hbm>>) target(%dma_start3A_43 : memref<128x64xf32, #tpu.memory_space<vmem>>) offsets(%dma_start3A_46 : memref<128xi32, #tpu.memory_space<vmem>>) semaphore(%arg10 : memref<!tpu.dma_semaphore, #tpu.memory_space<semaphore_mem>>)
    %dma_start3A_50 = arith.constant 4 : i32
    %dma_start3A_51 = arith.constant 4 : i32
    %dma_start3A_52 = arith.constant 0 : i32
    %dma_start3A_53 = arith.constant 0 : i32
    %dma_start3A_54 = tpu.memref_slice %arg6[%dma_start3A_51, %dma_start3A_52, %dma_start3A_53] : memref<8x128x64xf32, #tpu.memory_space<vmem>> -> memref<1x128x64xf32, #tpu.memory_space<vmem>>
    %dma_start3A_55 = tpu.memref_squeeze %dma_start3A_54 : memref<1x128x64xf32, #tpu.memory_space<vmem>> -> memref<128x64xf32, #tpu.memory_space<vmem>>
    %dma_start3A_56 = arith.constant 0 : i32
    %dma_start3A_57 = tpu.memref_slice %arg5[%dma_start3A_50, %dma_start3A_56] : memref<104x128xi32, #tpu.memory_space<vmem>> -> memref<1x128xi32, #tpu.memory_space<vmem>>
    %dma_start3A_58 = tpu.memref_squeeze %dma_start3A_57 : memref<1x128xi32, #tpu.memory_space<vmem>> -> memref<128xi32, #tpu.memory_space<vmem>>
    %dma_start3A_59 = arith.constant 0 : i32
    %dma_start3A_60 = arith.constant 0 : i32
    %dma_start3A_61 = tpu.memref_slice %arg3[%dma_start3A_59, %dma_start3A_60] : memref<1000000x64xf32, #tpu.memory_space<hbm>> -> memref<1000000x64xf32, #tpu.memory_space<hbm>>
    tpu.enqueue_indirect_dma source(%dma_start3A_61 : memref<1000000x64xf32, #tpu.memory_space<hbm>>) target(%dma_start3A_55 : memref<128x64xf32, #tpu.memory_space<vmem>>) offsets(%dma_start3A_58 : memref<128xi32, #tpu.memory_space<vmem>>) semaphore(%arg11 : memref<!tpu.dma_semaphore, #tpu.memory_space<semaphore_mem>>)
    %dma_start3A_62 = arith.constant 5 : i32
    %dma_start3A_63 = arith.constant 5 : i32
    %dma_start3A_64 = arith.constant 0 : i32
    %dma_start3A_65 = arith.constant 0 : i32
    %dma_start3A_66 = tpu.memref_slice %arg6[%dma_start3A_63, %dma_start3A_64, %dma_start3A_65] : memref<8x128x64xf32, #tpu.memory_space<vmem>> -> memref<1x128x64xf32, #tpu.memory_space<vmem>>
    %dma_start3A_67 = tpu.memref_squeeze %dma_start3A_66 : memref<1x128x64xf32, #tpu.memory_space<vmem>> -> memref<128x64xf32, #tpu.memory_space<vmem>>
    %dma_start3A_68 = arith.constant 0 : i32
    %dma_start3A_69 = tpu.memref_slice %arg5[%dma_start3A_62, %dma_start3A_68] : memref<104x128xi32, #tpu.memory_space<vmem>> -> memref<1x128xi32, #tpu.memory_space<vmem>>
    %dma_start3A_70 = tpu.memref_squeeze %dma_start3A_69 : memref<1x128xi32, #tpu.memory_space<vmem>> -> memref<128xi32, #tpu.memory_space<vmem>>
    %dma_start3A_71 = arith.constant 0 : i32
    %dma_start3A_72 = arith.constant 0 : i32
    %dma_start3A_73 = tpu.memref_slice %arg3[%dma_start3A_71, %dma_start3A_72] : memref<1000000x64xf32, #tpu.memory_space<hbm>> -> memref<1000000x64xf32, #tpu.memory_space<hbm>>
    tpu.enqueue_indirect_dma source(%dma_start3A_73 : memref<1000000x64xf32, #tpu.memory_space<hbm>>) target(%dma_start3A_67 : memref<128x64xf32, #tpu.memory_space<vmem>>) offsets(%dma_start3A_70 : memref<128xi32, #tpu.memory_space<vmem>>) semaphore(%arg12 : memref<!tpu.dma_semaphore, #tpu.memory_space<semaphore_mem>>)
    %dma_start3A_74 = arith.constant 6 : i32
    %dma_start3A_75 = arith.constant 6 : i32
    %dma_start3A_76 = arith.constant 0 : i32
    %dma_start3A_77 = arith.constant 0 : i32
    %dma_start3A_78 = tpu.memref_slice %arg6[%dma_start3A_75, %dma_start3A_76, %dma_start3A_77] : memref<8x128x64xf32, #tpu.memory_space<vmem>> -> memref<1x128x64xf32, #tpu.memory_space<vmem>>
    %dma_start3A_79 = tpu.memref_squeeze %dma_start3A_78 : memref<1x128x64xf32, #tpu.memory_space<vmem>> -> memref<128x64xf32, #tpu.memory_space<vmem>>
    %dma_start3A_80 = arith.constant 0 : i32
    %dma_start3A_81 = tpu.memref_slice %arg5[%dma_start3A_74, %dma_start3A_80] : memref<104x128xi32, #tpu.memory_space<vmem>> -> memref<1x128xi32, #tpu.memory_space<vmem>>
    %dma_start3A_82 = tpu.memref_squeeze %dma_start3A_81 : memref<1x128xi32, #tpu.memory_space<vmem>> -> memref<128xi32, #tpu.memory_space<vmem>>
    %dma_start3A_83 = arith.constant 0 : i32
    %dma_start3A_84 = arith.constant 0 : i32
    %dma_start3A_85 = tpu.memref_slice %arg3[%dma_start3A_83, %dma_start3A_84] : memref<1000000x64xf32, #tpu.memory_space<hbm>> -> memref<1000000x64xf32, #tpu.memory_space<hbm>>
    tpu.enqueue_indirect_dma source(%dma_start3A_85 : memref<1000000x64xf32, #tpu.memory_space<hbm>>) target(%dma_start3A_79 : memref<128x64xf32, #tpu.memory_space<vmem>>) offsets(%dma_start3A_82 : memref<128xi32, #tpu.memory_space<vmem>>) semaphore(%arg13 : memref<!tpu.dma_semaphore, #tpu.memory_space<semaphore_mem>>)
    %dma_start3A_86 = arith.constant 7 : i32
    %dma_start3A_87 = arith.constant 7 : i32
    %dma_start3A_88 = arith.constant 0 : i32
    %dma_start3A_89 = arith.constant 0 : i32
    %dma_start3A_90 = tpu.memref_slice %arg6[%dma_start3A_87, %dma_start3A_88, %dma_start3A_89] : memref<8x128x64xf32, #tpu.memory_space<vmem>> -> memref<1x128x64xf32, #tpu.memory_space<vmem>>
    %dma_start3A_91 = tpu.memref_squeeze %dma_start3A_90 : memref<1x128x64xf32, #tpu.memory_space<vmem>> -> memref<128x64xf32, #tpu.memory_space<vmem>>
    %dma_start3A_92 = arith.constant 0 : i32
    %dma_start3A_93 = tpu.memref_slice %arg5[%dma_start3A_86, %dma_start3A_92] : memref<104x128xi32, #tpu.memory_space<vmem>> -> memref<1x128xi32, #tpu.memory_space<vmem>>
    %dma_start3A_94 = tpu.memref_squeeze %dma_start3A_93 : memref<1x128xi32, #tpu.memory_space<vmem>> -> memref<128xi32, #tpu.memory_space<vmem>>
    %dma_start3A_95 = arith.constant 0 : i32
    %dma_start3A_96 = arith.constant 0 : i32
    %dma_start3A_97 = tpu.memref_slice %arg3[%dma_start3A_95, %dma_start3A_96] : memref<1000000x64xf32, #tpu.memory_space<hbm>> -> memref<1000000x64xf32, #tpu.memory_space<hbm>>
    tpu.enqueue_indirect_dma source(%dma_start3A_97 : memref<1000000x64xf32, #tpu.memory_space<hbm>>) target(%dma_start3A_91 : memref<128x64xf32, #tpu.memory_space<vmem>>) offsets(%dma_start3A_94 : memref<128xi32, #tpu.memory_space<vmem>>) semaphore(%arg14 : memref<!tpu.dma_semaphore, #tpu.memory_space<semaphore_mem>>)
    %scan3A = arith.constant 0 : i32
    %scan3A_98 = arith.constant 0 : i32
    %scan3A_99 = arith.constant 13 : i32
    %scan3A_100 = arith.addi %scan3A_98, %scan3A_99 : i32
    %scan3A_101 = arith.constant 1 : i32
    scf.for %scan3A_238 = %scan3A_98 to %scan3A_100 step %scan3A_101  : i32 {
      %mul3A_239 = arith.constant 8 : i32
      %mul3A_240 = arith.muli %scan3A_238, %mul3A_239 : i32
      %add3A_241 = arith.constant 0 : i32
      %add3A_242 = arith.addi %mul3A_240, %add3A_241 : i32
      %dma_wait3A_243 = arith.constant 0 : i32
      %dma_wait3A_244 = arith.constant 0 : i32
      %dma_wait3A_245 = arith.constant 0 : i32
      %dma_wait3A_246 = tpu.memref_slice %arg6[%dma_wait3A_243, %dma_wait3A_244, %dma_wait3A_245] : memref<8x128x64xf32, #tpu.memory_space<vmem>> -> memref<1x128x64xf32, #tpu.memory_space<vmem>>
      %dma_wait3A_247 = tpu.memref_squeeze %dma_wait3A_246 : memref<1x128x64xf32, #tpu.memory_space<vmem>> -> memref<128x64xf32, #tpu.memory_space<vmem>>
      %dma_wait3A_248 = arith.constant 0 : i32
      %dma_wait3A_249 = tpu.memref_slice %arg5[%add3A_242, %dma_wait3A_248] : memref<104x128xi32, #tpu.memory_space<vmem>> -> memref<1x128xi32, #tpu.memory_space<vmem>>
      %dma_wait3A_250 = tpu.memref_squeeze %dma_wait3A_249 : memref<1x128xi32, #tpu.memory_space<vmem>> -> memref<128xi32, #tpu.memory_space<vmem>>
      %dma_wait3A_251 = arith.constant 0 : i32
      %dma_wait3A_252 = arith.constant 0 : i32
      %dma_wait3A_253 = tpu.memref_slice %arg3[%dma_wait3A_251, %dma_wait3A_252] : memref<1000000x64xf32, #tpu.memory_space<hbm>> -> memref<1000000x64xf32, #tpu.memory_space<hbm>>
      tpu.wait_indirect_dma semaphore(%arg7 : memref<!tpu.dma_semaphore, #tpu.memory_space<semaphore_mem>>) src(%dma_wait3A_253 : memref<1000000x64xf32, #tpu.memory_space<hbm>>) dst(%dma_wait3A_247 : memref<128x64xf32, #tpu.memory_space<vmem>>)
      %add3A_254 = arith.addi %mul3A_2, %add3A_242 : i32
      %dma_start3A_255 = arith.constant 0 : i32
      %dma_start3A_256 = arith.constant 0 : i32
      %dma_start3A_257 = arith.constant 0 : i32
      %dma_start3A_258 = tpu.memref_slice %arg6[%dma_start3A_255, %dma_start3A_256, %dma_start3A_257] : memref<8x128x64xf32, #tpu.memory_space<vmem>> -> memref<1x128x64xf32, #tpu.memory_space<vmem>>
      %dma_start3A_259 = tpu.memref_squeeze %dma_start3A_258 : memref<1x128x64xf32, #tpu.memory_space<vmem>> -> memref<128x64xf32, #tpu.memory_space<vmem>>
      %dma_start3A_260 = arith.constant 0 : i32
      %dma_start3A_261 = arith.constant 0 : i32
      %dma_start3A_262 = tpu.memref_slice %arg4[%add3A_254, %dma_start3A_260, %dma_start3A_261] : memref<3328x128x64xf32, #tpu.memory_space<hbm>> -> memref<1x128x64xf32, #tpu.memory_space<hbm>>
      %dma_start3A_263 = tpu.memref_squeeze %dma_start3A_262 : memref<1x128x64xf32, #tpu.memory_space<hbm>> -> memref<128x64xf32, #tpu.memory_space<hbm>>
      %dma_start3A_264 = arith.constant 0 : i32
      %dma_start3A_265 = arith.constant 0 : i32
      %dma_start3A_266 = tpu.memref_slice %arg4[%add3A_254, %dma_start3A_264, %dma_start3A_265] : memref<3328x128x64xf32, #tpu.memory_space<hbm>> -> memref<1x128x64xf32, #tpu.memory_space<hbm>>
      %dma_start3A_267 = tpu.memref_squeeze %dma_start3A_266 : memref<1x128x64xf32, #tpu.memory_space<hbm>> -> memref<128x64xf32, #tpu.memory_space<hbm>>
      %dma_start3A_268 = arith.constant 0 : i32
      %dma_start3A_269 = arith.constant 0 : i32
      %dma_start3A_270 = tpu.memref_slice %arg6[%dma_start3A_255, %dma_start3A_268, %dma_start3A_269] : memref<8x128x64xf32, #tpu.memory_space<vmem>> -> memref<1x128x64xf32, #tpu.memory_space<vmem>>
      %dma_start3A_271 = tpu.memref_squeeze %dma_start3A_270 : memref<1x128x64xf32, #tpu.memory_space<vmem>> -> memref<128x64xf32, #tpu.memory_space<vmem>>
      tpu.enqueue_dma source(%dma_start3A_271 : memref<128x64xf32, #tpu.memory_space<vmem>>) target(%dma_start3A_267 : memref<128x64xf32, #tpu.memory_space<hbm>>) target_semaphore(%arg15 : memref<!tpu.dma_semaphore, #tpu.memory_space<semaphore_mem>>)
      %sub3A = arith.constant 4 : i32
      %sub3A_272 = arith.subi %add3A_242, %sub3A : i32
      %ge3A = arith.constant 0 : i32
      %ge3A_273 = arith.cmpi sge, %sub3A_272, %ge3A : i32
      %add3A_274 = arith.constant 8 : i32
      %add3A_275 = arith.addi %sub3A_272, %add3A_274 : i32
      %lt3A = arith.constant 104 : i32
      %lt3A_276 = arith.cmpi slt, %add3A_275, %lt3A : i32
      %and3A = arith.andi %ge3A_273, %lt3A_276 : i1
      %convert_element_type3A = arith.extui %and3A : i1 to i32
      %cond3A = arith.constant 0 : i32
      %cond3A_277 = arith.cmpi ne, %convert_element_type3A, %cond3A : i32
      scf.if %cond3A_277 {
        %dma_wait3A_579 = arith.constant 4 : i32
        %dma_wait3A_580 = arith.constant 0 : i32
        %dma_wait3A_581 = arith.constant 0 : i32
        %dma_wait3A_582 = tpu.memref_slice %arg6[%dma_wait3A_579, %dma_wait3A_580, %dma_wait3A_581] : memref<8x128x64xf32, #tpu.memory_space<vmem>> -> memref<1x128x64xf32, #tpu.memory_space<vmem>>
        %dma_wait3A_583 = tpu.memref_squeeze %dma_wait3A_582 : memref<1x128x64xf32, #tpu.memory_space<vmem>> -> memref<128x64xf32, #tpu.memory_space<vmem>>
        %dma_wait3A_584 = arith.constant 0 : i32
        %dma_wait3A_585 = arith.constant 0 : i32
        %dma_wait3A_586 = tpu.memref_slice %arg4[%mul3A_2, %dma_wait3A_584, %dma_wait3A_585] : memref<3328x128x64xf32, #tpu.memory_space<hbm>> -> memref<1x128x64xf32, #tpu.memory_space<hbm>>
        %dma_wait3A_587 = tpu.memref_squeeze %dma_wait3A_586 : memref<1x128x64xf32, #tpu.memory_space<hbm>> -> memref<128x64xf32, #tpu.memory_space<hbm>>
        %dma_wait3A_588 = arith.constant 0 : i32
        %dma_wait3A_589 = arith.constant 0 : i32
        %dma_wait3A_590 = tpu.memref_slice %arg4[%mul3A_2, %dma_wait3A_588, %dma_wait3A_589] : memref<3328x128x64xf32, #tpu.memory_space<hbm>> -> memref<1x128x64xf32, #tpu.memory_space<hbm>>
        %dma_wait3A_591 = tpu.memref_squeeze %dma_wait3A_590 : memref<1x128x64xf32, #tpu.memory_space<hbm>> -> memref<128x64xf32, #tpu.memory_space<hbm>>
        %dma_wait3A_592 = arith.constant 0 : i32
        %dma_wait3A_593 = arith.constant 0 : i32
        %dma_wait3A_594 = tpu.memref_slice %arg6[%dma_wait3A_579, %dma_wait3A_592, %dma_wait3A_593] : memref<8x128x64xf32, #tpu.memory_space<vmem>> -> memref<1x128x64xf32, #tpu.memory_space<vmem>>
        %dma_wait3A_595 = tpu.memref_squeeze %dma_wait3A_594 : memref<1x128x64xf32, #tpu.memory_space<vmem>> -> memref<128x64xf32, #tpu.memory_space<vmem>>
        tpu.wait_dma2 semaphore(%arg19 : memref<!tpu.dma_semaphore, #tpu.memory_space<semaphore_mem>>) src(%dma_wait3A_595 : memref<128x64xf32, #tpu.memory_space<vmem>>) dst(%dma_wait3A_591 : memref<128x64xf32, #tpu.memory_space<hbm>>)
        %add3A_596 = arith.constant 8 : i32
        %add3A_597 = arith.addi %sub3A_272, %add3A_596 : i32
        %dma_start3A_598 = arith.constant 4 : i32
        %dma_start3A_599 = arith.constant 0 : i32
        %dma_start3A_600 = arith.constant 0 : i32
        %dma_start3A_601 = tpu.memref_slice %arg6[%dma_start3A_598, %dma_start3A_599, %dma_start3A_600] : memref<8x128x64xf32, #tpu.memory_space<vmem>> -> memref<1x128x64xf32, #tpu.memory_space<vmem>>
        %dma_start3A_602 = tpu.memref_squeeze %dma_start3A_601 : memref<1x128x64xf32, #tpu.memory_space<vmem>> -> memref<128x64xf32, #tpu.memory_space<vmem>>
        %dma_start3A_603 = arith.constant 0 : i32
        %dma_start3A_604 = tpu.memref_slice %arg5[%add3A_597, %dma_start3A_603] : memref<104x128xi32, #tpu.memory_space<vmem>> -> memref<1x128xi32, #tpu.memory_space<vmem>>
        %dma_start3A_605 = tpu.memref_squeeze %dma_start3A_604 : memref<1x128xi32, #tpu.memory_space<vmem>> -> memref<128xi32, #tpu.memory_space<vmem>>
        %dma_start3A_606 = arith.constant 0 : i32
        %dma_start3A_607 = arith.constant 0 : i32
        %dma_start3A_608 = tpu.memref_slice %arg3[%dma_start3A_606, %dma_start3A_607] : memref<1000000x64xf32, #tpu.memory_space<hbm>> -> memref<1000000x64xf32, #tpu.memory_space<hbm>>
        tpu.enqueue_indirect_dma source(%dma_start3A_608 : memref<1000000x64xf32, #tpu.memory_space<hbm>>) target(%dma_start3A_602 : memref<128x64xf32, #tpu.memory_space<vmem>>) offsets(%dma_start3A_605 : memref<128xi32, #tpu.memory_space<vmem>>) semaphore(%arg11 : memref<!tpu.dma_semaphore, #tpu.memory_space<semaphore_mem>>)
      } else {
      }
      %add3A_278 = arith.constant 1 : i32
      %add3A_279 = arith.addi %mul3A_240, %add3A_278 : i32
      %dma_wait3A_280 = arith.constant 1 : i32
      %dma_wait3A_281 = arith.constant 0 : i32
      %dma_wait3A_282 = arith.constant 0 : i32
      %dma_wait3A_283 = tpu.memref_slice %arg6[%dma_wait3A_280, %dma_wait3A_281, %dma_wait3A_282] : memref<8x128x64xf32, #tpu.memory_space<vmem>> -> memref<1x128x64xf32, #tpu.memory_space<vmem>>
      %dma_wait3A_284 = tpu.memref_squeeze %dma_wait3A_283 : memref<1x128x64xf32, #tpu.memory_space<vmem>> -> memref<128x64xf32, #tpu.memory_space<vmem>>
      %dma_wait3A_285 = arith.constant 0 : i32
      %dma_wait3A_286 = tpu.memref_slice %arg5[%add3A_279, %dma_wait3A_285] : memref<104x128xi32, #tpu.memory_space<vmem>> -> memref<1x128xi32, #tpu.memory_space<vmem>>
      %dma_wait3A_287 = tpu.memref_squeeze %dma_wait3A_286 : memref<1x128xi32, #tpu.memory_space<vmem>> -> memref<128xi32, #tpu.memory_space<vmem>>
      %dma_wait3A_288 = arith.constant 0 : i32
      %dma_wait3A_289 = arith.constant 0 : i32
      %dma_wait3A_290 = tpu.memref_slice %arg3[%dma_wait3A_288, %dma_wait3A_289] : memref<1000000x64xf32, #tpu.memory_space<hbm>> -> memref<1000000x64xf32, #tpu.memory_space<hbm>>
      tpu.wait_indirect_dma semaphore(%arg8 : memref<!tpu.dma_semaphore, #tpu.memory_space<semaphore_mem>>) src(%dma_wait3A_290 : memref<1000000x64xf32, #tpu.memory_space<hbm>>) dst(%dma_wait3A_284 : memref<128x64xf32, #tpu.memory_space<vmem>>)
      %add3A_291 = arith.addi %mul3A_2, %add3A_279 : i32
      %dma_start3A_292 = arith.constant 1 : i32
      %dma_start3A_293 = arith.constant 0 : i32
      %dma_start3A_294 = arith.constant 0 : i32
      %dma_start3A_295 = tpu.memref_slice %arg6[%dma_start3A_292, %dma_start3A_293, %dma_start3A_294] : memref<8x128x64xf32, #tpu.memory_space<vmem>> -> memref<1x128x64xf32, #tpu.memory_space<vmem>>
      %dma_start3A_296 = tpu.memref_squeeze %dma_start3A_295 : memref<1x128x64xf32, #tpu.memory_space<vmem>> -> memref<128x64xf32, #tpu.memory_space<vmem>>
      %dma_start3A_297 = arith.constant 0 : i32
      %dma_start3A_298 = arith.constant 0 : i32
      %dma_start3A_299 = tpu.memref_slice %arg4[%add3A_291, %dma_start3A_297, %dma_start3A_298] : memref<3328x128x64xf32, #tpu.memory_space<hbm>> -> memref<1x128x64xf32, #tpu.memory_space<hbm>>
      %dma_start3A_300 = tpu.memref_squeeze %dma_start3A_299 : memref<1x128x64xf32, #tpu.memory_space<hbm>> -> memref<128x64xf32, #tpu.memory_space<hbm>>
      %dma_start3A_301 = arith.constant 0 : i32
      %dma_start3A_302 = arith.constant 0 : i32
      %dma_start3A_303 = tpu.memref_slice %arg4[%add3A_291, %dma_start3A_301, %dma_start3A_302] : memref<3328x128x64xf32, #tpu.memory_space<hbm>> -> memref<1x128x64xf32, #tpu.memory_space<hbm>>
      %dma_start3A_304 = tpu.memref_squeeze %dma_start3A_303 : memref<1x128x64xf32, #tpu.memory_space<hbm>> -> memref<128x64xf32, #tpu.memory_space<hbm>>
      %dma_start3A_305 = arith.constant 0 : i32
      %dma_start3A_306 = arith.constant 0 : i32
      %dma_start3A_307 = tpu.memref_slice %arg6[%dma_start3A_292, %dma_start3A_305, %dma_start3A_306] : memref<8x128x64xf32, #tpu.memory_space<vmem>> -> memref<1x128x64xf32, #tpu.memory_space<vmem>>
      %dma_start3A_308 = tpu.memref_squeeze %dma_start3A_307 : memref<1x128x64xf32, #tpu.memory_space<vmem>> -> memref<128x64xf32, #tpu.memory_space<vmem>>
      tpu.enqueue_dma source(%dma_start3A_308 : memref<128x64xf32, #tpu.memory_space<vmem>>) target(%dma_start3A_304 : memref<128x64xf32, #tpu.memory_space<hbm>>) target_semaphore(%arg16 : memref<!tpu.dma_semaphore, #tpu.memory_space<semaphore_mem>>)
      %sub3A_309 = arith.constant 4 : i32
      %sub3A_310 = arith.subi %add3A_279, %sub3A_309 : i32
      %ge3A_311 = arith.constant 0 : i32
      %ge3A_312 = arith.cmpi sge, %sub3A_310, %ge3A_311 : i32
      %add3A_313 = arith.constant 8 : i32
      %add3A_314 = arith.addi %sub3A_310, %add3A_313 : i32
      %lt3A_315 = arith.constant 104 : i32
      %lt3A_316 = arith.cmpi slt, %add3A_314, %lt3A_315 : i32
      %and3A_317 = arith.andi %ge3A_312, %lt3A_316 : i1
      %convert_element_type3A_318 = arith.extui %and3A_317 : i1 to i32
      %cond3A_319 = arith.constant 0 : i32
      %cond3A_320 = arith.cmpi ne, %convert_element_type3A_318, %cond3A_319 : i32
      scf.if %cond3A_320 {
        %dma_wait3A_579 = arith.constant 5 : i32
        %dma_wait3A_580 = arith.constant 0 : i32
        %dma_wait3A_581 = arith.constant 0 : i32
        %dma_wait3A_582 = tpu.memref_slice %arg6[%dma_wait3A_579, %dma_wait3A_580, %dma_wait3A_581] : memref<8x128x64xf32, #tpu.memory_space<vmem>> -> memref<1x128x64xf32, #tpu.memory_space<vmem>>
        %dma_wait3A_583 = tpu.memref_squeeze %dma_wait3A_582 : memref<1x128x64xf32, #tpu.memory_space<vmem>> -> memref<128x64xf32, #tpu.memory_space<vmem>>
        %dma_wait3A_584 = arith.constant 0 : i32
        %dma_wait3A_585 = arith.constant 0 : i32
        %dma_wait3A_586 = tpu.memref_slice %arg4[%mul3A_2, %dma_wait3A_584, %dma_wait3A_585] : memref<3328x128x64xf32, #tpu.memory_space<hbm>> -> memref<1x128x64xf32, #tpu.memory_space<hbm>>
        %dma_wait3A_587 = tpu.memref_squeeze %dma_wait3A_586 : memref<1x128x64xf32, #tpu.memory_space<hbm>> -> memref<128x64xf32, #tpu.memory_space<hbm>>
        %dma_wait3A_588 = arith.constant 0 : i32
        %dma_wait3A_589 = arith.constant 0 : i32
        %dma_wait3A_590 = tpu.memref_slice %arg4[%mul3A_2, %dma_wait3A_588, %dma_wait3A_589] : memref<3328x128x64xf32, #tpu.memory_space<hbm>> -> memref<1x128x64xf32, #tpu.memory_space<hbm>>
        %dma_wait3A_591 = tpu.memref_squeeze %dma_wait3A_590 : memref<1x128x64xf32, #tpu.memory_space<hbm>> -> memref<128x64xf32, #tpu.memory_space<hbm>>
        %dma_wait3A_592 = arith.constant 0 : i32
        %dma_wait3A_593 = arith.constant 0 : i32
        %dma_wait3A_594 = tpu.memref_slice %arg6[%dma_wait3A_579, %dma_wait3A_592, %dma_wait3A_593] : memref<8x128x64xf32, #tpu.memory_space<vmem>> -> memref<1x128x64xf32, #tpu.memory_space<vmem>>
        %dma_wait3A_595 = tpu.memref_squeeze %dma_wait3A_594 : memref<1x128x64xf32, #tpu.memory_space<vmem>> -> memref<128x64xf32, #tpu.memory_space<vmem>>
        tpu.wait_dma2 semaphore(%arg20 : memref<!tpu.dma_semaphore, #tpu.memory_space<semaphore_mem>>) src(%dma_wait3A_595 : memref<128x64xf32, #tpu.memory_space<vmem>>) dst(%dma_wait3A_591 : memref<128x64xf32, #tpu.memory_space<hbm>>)
        %add3A_596 = arith.constant 8 : i32
        %add3A_597 = arith.addi %sub3A_310, %add3A_596 : i32
        %dma_start3A_598 = arith.constant 5 : i32
        %dma_start3A_599 = arith.constant 0 : i32
        %dma_start3A_600 = arith.constant 0 : i32
        %dma_start3A_601 = tpu.memref_slice %arg6[%dma_start3A_598, %dma_start3A_599, %dma_start3A_600] : memref<8x128x64xf32, #tpu.memory_space<vmem>> -> memref<1x128x64xf32, #tpu.memory_space<vmem>>
        %dma_start3A_602 = tpu.memref_squeeze %dma_start3A_601 : memref<1x128x64xf32, #tpu.memory_space<vmem>> -> memref<128x64xf32, #tpu.memory_space<vmem>>
        %dma_start3A_603 = arith.constant 0 : i32
        %dma_start3A_604 = tpu.memref_slice %arg5[%add3A_597, %dma_start3A_603] : memref<104x128xi32, #tpu.memory_space<vmem>> -> memref<1x128xi32, #tpu.memory_space<vmem>>
        %dma_start3A_605 = tpu.memref_squeeze %dma_start3A_604 : memref<1x128xi32, #tpu.memory_space<vmem>> -> memref<128xi32, #tpu.memory_space<vmem>>
        %dma_start3A_606 = arith.constant 0 : i32
        %dma_start3A_607 = arith.constant 0 : i32
        %dma_start3A_608 = tpu.memref_slice %arg3[%dma_start3A_606, %dma_start3A_607] : memref<1000000x64xf32, #tpu.memory_space<hbm>> -> memref<1000000x64xf32, #tpu.memory_space<hbm>>
        tpu.enqueue_indirect_dma source(%dma_start3A_608 : memref<1000000x64xf32, #tpu.memory_space<hbm>>) target(%dma_start3A_602 : memref<128x64xf32, #tpu.memory_space<vmem>>) offsets(%dma_start3A_605 : memref<128xi32, #tpu.memory_space<vmem>>) semaphore(%arg12 : memref<!tpu.dma_semaphore, #tpu.memory_space<semaphore_mem>>)
      } else {
      }
      %add3A_321 = arith.constant 2 : i32
      %add3A_322 = arith.addi %mul3A_240, %add3A_321 : i32
      %dma_wait3A_323 = arith.constant 2 : i32
      %dma_wait3A_324 = arith.constant 0 : i32
      %dma_wait3A_325 = arith.constant 0 : i32
      %dma_wait3A_326 = tpu.memref_slice %arg6[%dma_wait3A_323, %dma_wait3A_324, %dma_wait3A_325] : memref<8x128x64xf32, #tpu.memory_space<vmem>> -> memref<1x128x64xf32, #tpu.memory_space<vmem>>
      %dma_wait3A_327 = tpu.memref_squeeze %dma_wait3A_326 : memref<1x128x64xf32, #tpu.memory_space<vmem>> -> memref<128x64xf32, #tpu.memory_space<vmem>>
      %dma_wait3A_328 = arith.constant 0 : i32
      %dma_wait3A_329 = tpu.memref_slice %arg5[%add3A_322, %dma_wait3A_328] : memref<104x128xi32, #tpu.memory_space<vmem>> -> memref<1x128xi32, #tpu.memory_space<vmem>>
      %dma_wait3A_330 = tpu.memref_squeeze %dma_wait3A_329 : memref<1x128xi32, #tpu.memory_space<vmem>> -> memref<128xi32, #tpu.memory_space<vmem>>
      %dma_wait3A_331 = arith.constant 0 : i32
      %dma_wait3A_332 = arith.constant 0 : i32
      %dma_wait3A_333 = tpu.memref_slice %arg3[%dma_wait3A_331, %dma_wait3A_332] : memref<1000000x64xf32, #tpu.memory_space<hbm>> -> memref<1000000x64xf32, #tpu.memory_space<hbm>>
      tpu.wait_indirect_dma semaphore(%arg9 : memref<!tpu.dma_semaphore, #tpu.memory_space<semaphore_mem>>) src(%dma_wait3A_333 : memref<1000000x64xf32, #tpu.memory_space<hbm>>) dst(%dma_wait3A_327 : memref<128x64xf32, #tpu.memory_space<vmem>>)
      %add3A_334 = arith.addi %mul3A_2, %add3A_322 : i32
      %dma_start3A_335 = arith.constant 2 : i32
      %dma_start3A_336 = arith.constant 0 : i32
      %dma_start3A_337 = arith.constant 0 : i32
      %dma_start3A_338 = tpu.memref_slice %arg6[%dma_start3A_335, %dma_start3A_336, %dma_start3A_337] : memref<8x128x64xf32, #tpu.memory_space<vmem>> -> memref<1x128x64xf32, #tpu.memory_space<vmem>>
      %dma_start3A_339 = tpu.memref_squeeze %dma_start3A_338 : memref<1x128x64xf32, #tpu.memory_space<vmem>> -> memref<128x64xf32, #tpu.memory_space<vmem>>
      %dma_start3A_340 = arith.constant 0 : i32
      %dma_start3A_341 = arith.constant 0 : i32
      %dma_start3A_342 = tpu.memref_slice %arg4[%add3A_334, %dma_start3A_340, %dma_start3A_341] : memref<3328x128x64xf32, #tpu.memory_space<hbm>> -> memref<1x128x64xf32, #tpu.memory_space<hbm>>
      %dma_start3A_343 = tpu.memref_squeeze %dma_start3A_342 : memref<1x128x64xf32, #tpu.memory_space<hbm>> -> memref<128x64xf32, #tpu.memory_space<hbm>>
      %dma_start3A_344 = arith.constant 0 : i32
      %dma_start3A_345 = arith.constant 0 : i32
      %dma_start3A_346 = tpu.memref_slice %arg4[%add3A_334, %dma_start3A_344, %dma_start3A_345] : memref<3328x128x64xf32, #tpu.memory_space<hbm>> -> memref<1x128x64xf32, #tpu.memory_space<hbm>>
      %dma_start3A_347 = tpu.memref_squeeze %dma_start3A_346 : memref<1x128x64xf32, #tpu.memory_space<hbm>> -> memref<128x64xf32, #tpu.memory_space<hbm>>
      %dma_start3A_348 = arith.constant 0 : i32
      %dma_start3A_349 = arith.constant 0 : i32
      %dma_start3A_350 = tpu.memref_slice %arg6[%dma_start3A_335, %dma_start3A_348, %dma_start3A_349] : memref<8x128x64xf32, #tpu.memory_space<vmem>> -> memref<1x128x64xf32, #tpu.memory_space<vmem>>
      %dma_start3A_351 = tpu.memref_squeeze %dma_start3A_350 : memref<1x128x64xf32, #tpu.memory_space<vmem>> -> memref<128x64xf32, #tpu.memory_space<vmem>>
      tpu.enqueue_dma source(%dma_start3A_351 : memref<128x64xf32, #tpu.memory_space<vmem>>) target(%dma_start3A_347 : memref<128x64xf32, #tpu.memory_space<hbm>>) target_semaphore(%arg17 : memref<!tpu.dma_semaphore, #tpu.memory_space<semaphore_mem>>)
      %sub3A_352 = arith.constant 4 : i32
      %sub3A_353 = arith.subi %add3A_322, %sub3A_352 : i32
      %ge3A_354 = arith.constant 0 : i32
      %ge3A_355 = arith.cmpi sge, %sub3A_353, %ge3A_354 : i32
      %add3A_356 = arith.constant 8 : i32
      %add3A_357 = arith.addi %sub3A_353, %add3A_356 : i32
      %lt3A_358 = arith.constant 104 : i32
      %lt3A_359 = arith.cmpi slt, %add3A_357, %lt3A_358 : i32
      %and3A_360 = arith.andi %ge3A_355, %lt3A_359 : i1
      %convert_element_type3A_361 = arith.extui %and3A_360 : i1 to i32
      %cond3A_362 = arith.constant 0 : i32
      %cond3A_363 = arith.cmpi ne, %convert_element_type3A_361, %cond3A_362 : i32
      scf.if %cond3A_363 {
        %dma_wait3A_579 = arith.constant 6 : i32
        %dma_wait3A_580 = arith.constant 0 : i32
        %dma_wait3A_581 = arith.constant 0 : i32
        %dma_wait3A_582 = tpu.memref_slice %arg6[%dma_wait3A_579, %dma_wait3A_580, %dma_wait3A_581] : memref<8x128x64xf32, #tpu.memory_space<vmem>> -> memref<1x128x64xf32, #tpu.memory_space<vmem>>
        %dma_wait3A_583 = tpu.memref_squeeze %dma_wait3A_582 : memref<1x128x64xf32, #tpu.memory_space<vmem>> -> memref<128x64xf32, #tpu.memory_space<vmem>>
        %dma_wait3A_584 = arith.constant 0 : i32
        %dma_wait3A_585 = arith.constant 0 : i32
        %dma_wait3A_586 = tpu.memref_slice %arg4[%mul3A_2, %dma_wait3A_584, %dma_wait3A_585] : memref<3328x128x64xf32, #tpu.memory_space<hbm>> -> memref<1x128x64xf32, #tpu.memory_space<hbm>>
        %dma_wait3A_587 = tpu.memref_squeeze %dma_wait3A_586 : memref<1x128x64xf32, #tpu.memory_space<hbm>> -> memref<128x64xf32, #tpu.memory_space<hbm>>
        %dma_wait3A_588 = arith.constant 0 : i32
        %dma_wait3A_589 = arith.constant 0 : i32
        %dma_wait3A_590 = tpu.memref_slice %arg4[%mul3A_2, %dma_wait3A_588, %dma_wait3A_589] : memref<3328x128x64xf32, #tpu.memory_space<hbm>> -> memref<1x128x64xf32, #tpu.memory_space<hbm>>
        %dma_wait3A_591 = tpu.memref_squeeze %dma_wait3A_590 : memref<1x128x64xf32, #tpu.memory_space<hbm>> -> memref<128x64xf32, #tpu.memory_space<hbm>>
        %dma_wait3A_592 = arith.constant 0 : i32
        %dma_wait3A_593 = arith.constant 0 : i32
        %dma_wait3A_594 = tpu.memref_slice %arg6[%dma_wait3A_579, %dma_wait3A_592, %dma_wait3A_593] : memref<8x128x64xf32, #tpu.memory_space<vmem>> -> memref<1x128x64xf32, #tpu.memory_space<vmem>>
        %dma_wait3A_595 = tpu.memref_squeeze %dma_wait3A_594 : memref<1x128x64xf32, #tpu.memory_space<vmem>> -> memref<128x64xf32, #tpu.memory_space<vmem>>
        tpu.wait_dma2 semaphore(%arg21 : memref<!tpu.dma_semaphore, #tpu.memory_space<semaphore_mem>>) src(%dma_wait3A_595 : memref<128x64xf32, #tpu.memory_space<vmem>>) dst(%dma_wait3A_591 : memref<128x64xf32, #tpu.memory_space<hbm>>)
        %add3A_596 = arith.constant 8 : i32
        %add3A_597 = arith.addi %sub3A_353, %add3A_596 : i32
        %dma_start3A_598 = arith.constant 6 : i32
        %dma_start3A_599 = arith.constant 0 : i32
        %dma_start3A_600 = arith.constant 0 : i32
        %dma_start3A_601 = tpu.memref_slice %arg6[%dma_start3A_598, %dma_start3A_599, %dma_start3A_600] : memref<8x128x64xf32, #tpu.memory_space<vmem>> -> memref<1x128x64xf32, #tpu.memory_space<vmem>>
        %dma_start3A_602 = tpu.memref_squeeze %dma_start3A_601 : memref<1x128x64xf32, #tpu.memory_space<vmem>> -> memref<128x64xf32, #tpu.memory_space<vmem>>
        %dma_start3A_603 = arith.constant 0 : i32
        %dma_start3A_604 = tpu.memref_slice %arg5[%add3A_597, %dma_start3A_603] : memref<104x128xi32, #tpu.memory_space<vmem>> -> memref<1x128xi32, #tpu.memory_space<vmem>>
        %dma_start3A_605 = tpu.memref_squeeze %dma_start3A_604 : memref<1x128xi32, #tpu.memory_space<vmem>> -> memref<128xi32, #tpu.memory_space<vmem>>
        %dma_start3A_606 = arith.constant 0 : i32
        %dma_start3A_607 = arith.constant 0 : i32
        %dma_start3A_608 = tpu.memref_slice %arg3[%dma_start3A_606, %dma_start3A_607] : memref<1000000x64xf32, #tpu.memory_space<hbm>> -> memref<1000000x64xf32, #tpu.memory_space<hbm>>
        tpu.enqueue_indirect_dma source(%dma_start3A_608 : memref<1000000x64xf32, #tpu.memory_space<hbm>>) target(%dma_start3A_602 : memref<128x64xf32, #tpu.memory_space<vmem>>) offsets(%dma_start3A_605 : memref<128xi32, #tpu.memory_space<vmem>>) semaphore(%arg13 : memref<!tpu.dma_semaphore, #tpu.memory_space<semaphore_mem>>)
      } else {
      }
      %add3A_364 = arith.constant 3 : i32
      %add3A_365 = arith.addi %mul3A_240, %add3A_364 : i32
      %dma_wait3A_366 = arith.constant 3 : i32
      %dma_wait3A_367 = arith.constant 0 : i32
      %dma_wait3A_368 = arith.constant 0 : i32
      %dma_wait3A_369 = tpu.memref_slice %arg6[%dma_wait3A_366, %dma_wait3A_367, %dma_wait3A_368] : memref<8x128x64xf32, #tpu.memory_space<vmem>> -> memref<1x128x64xf32, #tpu.memory_space<vmem>>
      %dma_wait3A_370 = tpu.memref_squeeze %dma_wait3A_369 : memref<1x128x64xf32, #tpu.memory_space<vmem>> -> memref<128x64xf32, #tpu.memory_space<vmem>>
      %dma_wait3A_371 = arith.constant 0 : i32
      %dma_wait3A_372 = tpu.memref_slice %arg5[%add3A_365, %dma_wait3A_371] : memref<104x128xi32, #tpu.memory_space<vmem>> -> memref<1x128xi32, #tpu.memory_space<vmem>>
      %dma_wait3A_373 = tpu.memref_squeeze %dma_wait3A_372 : memref<1x128xi32, #tpu.memory_space<vmem>> -> memref<128xi32, #tpu.memory_space<vmem>>
      %dma_wait3A_374 = arith.constant 0 : i32
      %dma_wait3A_375 = arith.constant 0 : i32
      %dma_wait3A_376 = tpu.memref_slice %arg3[%dma_wait3A_374, %dma_wait3A_375] : memref<1000000x64xf32, #tpu.memory_space<hbm>> -> memref<1000000x64xf32, #tpu.memory_space<hbm>>
      tpu.wait_indirect_dma semaphore(%arg10 : memref<!tpu.dma_semaphore, #tpu.memory_space<semaphore_mem>>) src(%dma_wait3A_376 : memref<1000000x64xf32, #tpu.memory_space<hbm>>) dst(%dma_wait3A_370 : memref<128x64xf32, #tpu.memory_space<vmem>>)
      %add3A_377 = arith.addi %mul3A_2, %add3A_365 : i32
      %dma_start3A_378 = arith.constant 3 : i32
      %dma_start3A_379 = arith.constant 0 : i32
      %dma_start3A_380 = arith.constant 0 : i32
      %dma_start3A_381 = tpu.memref_slice %arg6[%dma_start3A_378, %dma_start3A_379, %dma_start3A_380] : memref<8x128x64xf32, #tpu.memory_space<vmem>> -> memref<1x128x64xf32, #tpu.memory_space<vmem>>
      %dma_start3A_382 = tpu.memref_squeeze %dma_start3A_381 : memref<1x128x64xf32, #tpu.memory_space<vmem>> -> memref<128x64xf32, #tpu.memory_space<vmem>>
      %dma_start3A_383 = arith.constant 0 : i32
      %dma_start3A_384 = arith.constant 0 : i32
      %dma_start3A_385 = tpu.memref_slice %arg4[%add3A_377, %dma_start3A_383, %dma_start3A_384] : memref<3328x128x64xf32, #tpu.memory_space<hbm>> -> memref<1x128x64xf32, #tpu.memory_space<hbm>>
      %dma_start3A_386 = tpu.memref_squeeze %dma_start3A_385 : memref<1x128x64xf32, #tpu.memory_space<hbm>> -> memref<128x64xf32, #tpu.memory_space<hbm>>
      %dma_start3A_387 = arith.constant 0 : i32
      %dma_start3A_388 = arith.constant 0 : i32
      %dma_start3A_389 = tpu.memref_slice %arg4[%add3A_377, %dma_start3A_387, %dma_start3A_388] : memref<3328x128x64xf32, #tpu.memory_space<hbm>> -> memref<1x128x64xf32, #tpu.memory_space<hbm>>
      %dma_start3A_390 = tpu.memref_squeeze %dma_start3A_389 : memref<1x128x64xf32, #tpu.memory_space<hbm>> -> memref<128x64xf32, #tpu.memory_space<hbm>>
      %dma_start3A_391 = arith.constant 0 : i32
      %dma_start3A_392 = arith.constant 0 : i32
      %dma_start3A_393 = tpu.memref_slice %arg6[%dma_start3A_378, %dma_start3A_391, %dma_start3A_392] : memref<8x128x64xf32, #tpu.memory_space<vmem>> -> memref<1x128x64xf32, #tpu.memory_space<vmem>>
      %dma_start3A_394 = tpu.memref_squeeze %dma_start3A_393 : memref<1x128x64xf32, #tpu.memory_space<vmem>> -> memref<128x64xf32, #tpu.memory_space<vmem>>
      tpu.enqueue_dma source(%dma_start3A_394 : memref<128x64xf32, #tpu.memory_space<vmem>>) target(%dma_start3A_390 : memref<128x64xf32, #tpu.memory_space<hbm>>) target_semaphore(%arg18 : memref<!tpu.dma_semaphore, #tpu.memory_space<semaphore_mem>>)
      %sub3A_395 = arith.constant 4 : i32
      %sub3A_396 = arith.subi %add3A_365, %sub3A_395 : i32
      %ge3A_397 = arith.constant 0 : i32
      %ge3A_398 = arith.cmpi sge, %sub3A_396, %ge3A_397 : i32
      %add3A_399 = arith.constant 8 : i32
      %add3A_400 = arith.addi %sub3A_396, %add3A_399 : i32
      %lt3A_401 = arith.constant 104 : i32
      %lt3A_402 = arith.cmpi slt, %add3A_400, %lt3A_401 : i32
      %and3A_403 = arith.andi %ge3A_398, %lt3A_402 : i1
      %convert_element_type3A_404 = arith.extui %and3A_403 : i1 to i32
      %cond3A_405 = arith.constant 0 : i32
      %cond3A_406 = arith.cmpi ne, %convert_element_type3A_404, %cond3A_405 : i32
      scf.if %cond3A_406 {
        %dma_wait3A_579 = arith.constant 7 : i32
        %dma_wait3A_580 = arith.constant 0 : i32
        %dma_wait3A_581 = arith.constant 0 : i32
        %dma_wait3A_582 = tpu.memref_slice %arg6[%dma_wait3A_579, %dma_wait3A_580, %dma_wait3A_581] : memref<8x128x64xf32, #tpu.memory_space<vmem>> -> memref<1x128x64xf32, #tpu.memory_space<vmem>>
        %dma_wait3A_583 = tpu.memref_squeeze %dma_wait3A_582 : memref<1x128x64xf32, #tpu.memory_space<vmem>> -> memref<128x64xf32, #tpu.memory_space<vmem>>
        %dma_wait3A_584 = arith.constant 0 : i32
        %dma_wait3A_585 = arith.constant 0 : i32
        %dma_wait3A_586 = tpu.memref_slice %arg4[%mul3A_2, %dma_wait3A_584, %dma_wait3A_585] : memref<3328x128x64xf32, #tpu.memory_space<hbm>> -> memref<1x128x64xf32, #tpu.memory_space<hbm>>
        %dma_wait3A_587 = tpu.memref_squeeze %dma_wait3A_586 : memref<1x128x64xf32, #tpu.memory_space<hbm>> -> memref<128x64xf32, #tpu.memory_space<hbm>>
        %dma_wait3A_588 = arith.constant 0 : i32
        %dma_wait3A_589 = arith.constant 0 : i32
        %dma_wait3A_590 = tpu.memref_slice %arg4[%mul3A_2, %dma_wait3A_588, %dma_wait3A_589] : memref<3328x128x64xf32, #tpu.memory_space<hbm>> -> memref<1x128x64xf32, #tpu.memory_space<hbm>>
        %dma_wait3A_591 = tpu.memref_squeeze %dma_wait3A_590 : memref<1x128x64xf32, #tpu.memory_space<hbm>> -> memref<128x64xf32, #tpu.memory_space<hbm>>
        %dma_wait3A_592 = arith.constant 0 : i32
        %dma_wait3A_593 = arith.constant 0 : i32
        %dma_wait3A_594 = tpu.memref_slice %arg6[%dma_wait3A_579, %dma_wait3A_592, %dma_wait3A_593] : memref<8x128x64xf32, #tpu.memory_space<vmem>> -> memref<1x128x64xf32, #tpu.memory_space<vmem>>
        %dma_wait3A_595 = tpu.memref_squeeze %dma_wait3A_594 : memref<1x128x64xf32, #tpu.memory_space<vmem>> -> memref<128x64xf32, #tpu.memory_space<vmem>>
        tpu.wait_dma2 semaphore(%arg22 : memref<!tpu.dma_semaphore, #tpu.memory_space<semaphore_mem>>) src(%dma_wait3A_595 : memref<128x64xf32, #tpu.memory_space<vmem>>) dst(%dma_wait3A_591 : memref<128x64xf32, #tpu.memory_space<hbm>>)
        %add3A_596 = arith.constant 8 : i32
        %add3A_597 = arith.addi %sub3A_396, %add3A_596 : i32
        %dma_start3A_598 = arith.constant 7 : i32
        %dma_start3A_599 = arith.constant 0 : i32
        %dma_start3A_600 = arith.constant 0 : i32
        %dma_start3A_601 = tpu.memref_slice %arg6[%dma_start3A_598, %dma_start3A_599, %dma_start3A_600] : memref<8x128x64xf32, #tpu.memory_space<vmem>> -> memref<1x128x64xf32, #tpu.memory_space<vmem>>
        %dma_start3A_602 = tpu.memref_squeeze %dma_start3A_601 : memref<1x128x64xf32, #tpu.memory_space<vmem>> -> memref<128x64xf32, #tpu.memory_space<vmem>>
        %dma_start3A_603 = arith.constant 0 : i32
        %dma_start3A_604 = tpu.memref_slice %arg5[%add3A_597, %dma_start3A_603] : memref<104x128xi32, #tpu.memory_space<vmem>> -> memref<1x128xi32, #tpu.memory_space<vmem>>
        %dma_start3A_605 = tpu.memref_squeeze %dma_start3A_604 : memref<1x128xi32, #tpu.memory_space<vmem>> -> memref<128xi32, #tpu.memory_space<vmem>>
        %dma_start3A_606 = arith.constant 0 : i32
        %dma_start3A_607 = arith.constant 0 : i32
        %dma_start3A_608 = tpu.memref_slice %arg3[%dma_start3A_606, %dma_start3A_607] : memref<1000000x64xf32, #tpu.memory_space<hbm>> -> memref<1000000x64xf32, #tpu.memory_space<hbm>>
        tpu.enqueue_indirect_dma source(%dma_start3A_608 : memref<1000000x64xf32, #tpu.memory_space<hbm>>) target(%dma_start3A_602 : memref<128x64xf32, #tpu.memory_space<vmem>>) offsets(%dma_start3A_605 : memref<128xi32, #tpu.memory_space<vmem>>) semaphore(%arg14 : memref<!tpu.dma_semaphore, #tpu.memory_space<semaphore_mem>>)
      } else {
      }
      %add3A_407 = arith.constant 4 : i32
      %add3A_408 = arith.addi %mul3A_240, %add3A_407 : i32
      %dma_wait3A_409 = arith.constant 4 : i32
      %dma_wait3A_410 = arith.constant 0 : i32
      %dma_wait3A_411 = arith.constant 0 : i32
      %dma_wait3A_412 = tpu.memref_slice %arg6[%dma_wait3A_409, %dma_wait3A_410, %dma_wait3A_411] : memref<8x128x64xf32, #tpu.memory_space<vmem>> -> memref<1x128x64xf32, #tpu.memory_space<vmem>>
      %dma_wait3A_413 = tpu.memref_squeeze %dma_wait3A_412 : memref<1x128x64xf32, #tpu.memory_space<vmem>> -> memref<128x64xf32, #tpu.memory_space<vmem>>
      %dma_wait3A_414 = arith.constant 0 : i32
      %dma_wait3A_415 = tpu.memref_slice %arg5[%add3A_408, %dma_wait3A_414] : memref<104x128xi32, #tpu.memory_space<vmem>> -> memref<1x128xi32, #tpu.memory_space<vmem>>
      %dma_wait3A_416 = tpu.memref_squeeze %dma_wait3A_415 : memref<1x128xi32, #tpu.memory_space<vmem>> -> memref<128xi32, #tpu.memory_space<vmem>>
      %dma_wait3A_417 = arith.constant 0 : i32
      %dma_wait3A_418 = arith.constant 0 : i32
      %dma_wait3A_419 = tpu.memref_slice %arg3[%dma_wait3A_417, %dma_wait3A_418] : memref<1000000x64xf32, #tpu.memory_space<hbm>> -> memref<1000000x64xf32, #tpu.memory_space<hbm>>
      tpu.wait_indirect_dma semaphore(%arg11 : memref<!tpu.dma_semaphore, #tpu.memory_space<semaphore_mem>>) src(%dma_wait3A_419 : memref<1000000x64xf32, #tpu.memory_space<hbm>>) dst(%dma_wait3A_413 : memref<128x64xf32, #tpu.memory_space<vmem>>)
      %add3A_420 = arith.addi %mul3A_2, %add3A_408 : i32
      %dma_start3A_421 = arith.constant 4 : i32
      %dma_start3A_422 = arith.constant 0 : i32
      %dma_start3A_423 = arith.constant 0 : i32
      %dma_start3A_424 = tpu.memref_slice %arg6[%dma_start3A_421, %dma_start3A_422, %dma_start3A_423] : memref<8x128x64xf32, #tpu.memory_space<vmem>> -> memref<1x128x64xf32, #tpu.memory_space<vmem>>
      %dma_start3A_425 = tpu.memref_squeeze %dma_start3A_424 : memref<1x128x64xf32, #tpu.memory_space<vmem>> -> memref<128x64xf32, #tpu.memory_space<vmem>>
      %dma_start3A_426 = arith.constant 0 : i32
      %dma_start3A_427 = arith.constant 0 : i32
      %dma_start3A_428 = tpu.memref_slice %arg4[%add3A_420, %dma_start3A_426, %dma_start3A_427] : memref<3328x128x64xf32, #tpu.memory_space<hbm>> -> memref<1x128x64xf32, #tpu.memory_space<hbm>>
      %dma_start3A_429 = tpu.memref_squeeze %dma_start3A_428 : memref<1x128x64xf32, #tpu.memory_space<hbm>> -> memref<128x64xf32, #tpu.memory_space<hbm>>
      %dma_start3A_430 = arith.constant 0 : i32
      %dma_start3A_431 = arith.constant 0 : i32
      %dma_start3A_432 = tpu.memref_slice %arg4[%add3A_420, %dma_start3A_430, %dma_start3A_431] : memref<3328x128x64xf32, #tpu.memory_space<hbm>> -> memref<1x128x64xf32, #tpu.memory_space<hbm>>
      %dma_start3A_433 = tpu.memref_squeeze %dma_start3A_432 : memref<1x128x64xf32, #tpu.memory_space<hbm>> -> memref<128x64xf32, #tpu.memory_space<hbm>>
      %dma_start3A_434 = arith.constant 0 : i32
      %dma_start3A_435 = arith.constant 0 : i32
      %dma_start3A_436 = tpu.memref_slice %arg6[%dma_start3A_421, %dma_start3A_434, %dma_start3A_435] : memref<8x128x64xf32, #tpu.memory_space<vmem>> -> memref<1x128x64xf32, #tpu.memory_space<vmem>>
      %dma_start3A_437 = tpu.memref_squeeze %dma_start3A_436 : memref<1x128x64xf32, #tpu.memory_space<vmem>> -> memref<128x64xf32, #tpu.memory_space<vmem>>
      tpu.enqueue_dma source(%dma_start3A_437 : memref<128x64xf32, #tpu.memory_space<vmem>>) target(%dma_start3A_433 : memref<128x64xf32, #tpu.memory_space<hbm>>) target_semaphore(%arg19 : memref<!tpu.dma_semaphore, #tpu.memory_space<semaphore_mem>>)
      %sub3A_438 = arith.constant 4 : i32
      %sub3A_439 = arith.subi %add3A_408, %sub3A_438 : i32
      %ge3A_440 = arith.constant 0 : i32
      %ge3A_441 = arith.cmpi sge, %sub3A_439, %ge3A_440 : i32
      %add3A_442 = arith.constant 8 : i32
      %add3A_443 = arith.addi %sub3A_439, %add3A_442 : i32
      %lt3A_444 = arith.constant 104 : i32
      %lt3A_445 = arith.cmpi slt, %add3A_443, %lt3A_444 : i32
      %and3A_446 = arith.andi %ge3A_441, %lt3A_445 : i1
      %convert_element_type3A_447 = arith.extui %and3A_446 : i1 to i32
      %cond3A_448 = arith.constant 0 : i32
      %cond3A_449 = arith.cmpi ne, %convert_element_type3A_447, %cond3A_448 : i32
      scf.if %cond3A_449 {
        %dma_wait3A_579 = arith.constant 0 : i32
        %dma_wait3A_580 = arith.constant 0 : i32
        %dma_wait3A_581 = arith.constant 0 : i32
        %dma_wait3A_582 = tpu.memref_slice %arg6[%dma_wait3A_579, %dma_wait3A_580, %dma_wait3A_581] : memref<8x128x64xf32, #tpu.memory_space<vmem>> -> memref<1x128x64xf32, #tpu.memory_space<vmem>>
        %dma_wait3A_583 = tpu.memref_squeeze %dma_wait3A_582 : memref<1x128x64xf32, #tpu.memory_space<vmem>> -> memref<128x64xf32, #tpu.memory_space<vmem>>
        %dma_wait3A_584 = arith.constant 0 : i32
        %dma_wait3A_585 = arith.constant 0 : i32
        %dma_wait3A_586 = tpu.memref_slice %arg4[%mul3A_2, %dma_wait3A_584, %dma_wait3A_585] : memref<3328x128x64xf32, #tpu.memory_space<hbm>> -> memref<1x128x64xf32, #tpu.memory_space<hbm>>
        %dma_wait3A_587 = tpu.memref_squeeze %dma_wait3A_586 : memref<1x128x64xf32, #tpu.memory_space<hbm>> -> memref<128x64xf32, #tpu.memory_space<hbm>>
        %dma_wait3A_588 = arith.constant 0 : i32
        %dma_wait3A_589 = arith.constant 0 : i32
        %dma_wait3A_590 = tpu.memref_slice %arg4[%mul3A_2, %dma_wait3A_588, %dma_wait3A_589] : memref<3328x128x64xf32, #tpu.memory_space<hbm>> -> memref<1x128x64xf32, #tpu.memory_space<hbm>>
        %dma_wait3A_591 = tpu.memref_squeeze %dma_wait3A_590 : memref<1x128x64xf32, #tpu.memory_space<hbm>> -> memref<128x64xf32, #tpu.memory_space<hbm>>
        %dma_wait3A_592 = arith.constant 0 : i32
        %dma_wait3A_593 = arith.constant 0 : i32
        %dma_wait3A_594 = tpu.memref_slice %arg6[%dma_wait3A_579, %dma_wait3A_592, %dma_wait3A_593] : memref<8x128x64xf32, #tpu.memory_space<vmem>> -> memref<1x128x64xf32, #tpu.memory_space<vmem>>
        %dma_wait3A_595 = tpu.memref_squeeze %dma_wait3A_594 : memref<1x128x64xf32, #tpu.memory_space<vmem>> -> memref<128x64xf32, #tpu.memory_space<vmem>>
        tpu.wait_dma2 semaphore(%arg15 : memref<!tpu.dma_semaphore, #tpu.memory_space<semaphore_mem>>) src(%dma_wait3A_595 : memref<128x64xf32, #tpu.memory_space<vmem>>) dst(%dma_wait3A_591 : memref<128x64xf32, #tpu.memory_space<hbm>>)
        %add3A_596 = arith.constant 8 : i32
        %add3A_597 = arith.addi %sub3A_439, %add3A_596 : i32
        %dma_start3A_598 = arith.constant 0 : i32
        %dma_start3A_599 = arith.constant 0 : i32
        %dma_start3A_600 = arith.constant 0 : i32
        %dma_start3A_601 = tpu.memref_slice %arg6[%dma_start3A_598, %dma_start3A_599, %dma_start3A_600] : memref<8x128x64xf32, #tpu.memory_space<vmem>> -> memref<1x128x64xf32, #tpu.memory_space<vmem>>
        %dma_start3A_602 = tpu.memref_squeeze %dma_start3A_601 : memref<1x128x64xf32, #tpu.memory_space<vmem>> -> memref<128x64xf32, #tpu.memory_space<vmem>>
        %dma_start3A_603 = arith.constant 0 : i32
        %dma_start3A_604 = tpu.memref_slice %arg5[%add3A_597, %dma_start3A_603] : memref<104x128xi32, #tpu.memory_space<vmem>> -> memref<1x128xi32, #tpu.memory_space<vmem>>
        %dma_start3A_605 = tpu.memref_squeeze %dma_start3A_604 : memref<1x128xi32, #tpu.memory_space<vmem>> -> memref<128xi32, #tpu.memory_space<vmem>>
        %dma_start3A_606 = arith.constant 0 : i32
        %dma_start3A_607 = arith.constant 0 : i32
        %dma_start3A_608 = tpu.memref_slice %arg3[%dma_start3A_606, %dma_start3A_607] : memref<1000000x64xf32, #tpu.memory_space<hbm>> -> memref<1000000x64xf32, #tpu.memory_space<hbm>>
        tpu.enqueue_indirect_dma source(%dma_start3A_608 : memref<1000000x64xf32, #tpu.memory_space<hbm>>) target(%dma_start3A_602 : memref<128x64xf32, #tpu.memory_space<vmem>>) offsets(%dma_start3A_605 : memref<128xi32, #tpu.memory_space<vmem>>) semaphore(%arg7 : memref<!tpu.dma_semaphore, #tpu.memory_space<semaphore_mem>>)
      } else {
      }
      %add3A_450 = arith.constant 5 : i32
      %add3A_451 = arith.addi %mul3A_240, %add3A_450 : i32
      %dma_wait3A_452 = arith.constant 5 : i32
      %dma_wait3A_453 = arith.constant 0 : i32
      %dma_wait3A_454 = arith.constant 0 : i32
      %dma_wait3A_455 = tpu.memref_slice %arg6[%dma_wait3A_452, %dma_wait3A_453, %dma_wait3A_454] : memref<8x128x64xf32, #tpu.memory_space<vmem>> -> memref<1x128x64xf32, #tpu.memory_space<vmem>>
      %dma_wait3A_456 = tpu.memref_squeeze %dma_wait3A_455 : memref<1x128x64xf32, #tpu.memory_space<vmem>> -> memref<128x64xf32, #tpu.memory_space<vmem>>
      %dma_wait3A_457 = arith.constant 0 : i32
      %dma_wait3A_458 = tpu.memref_slice %arg5[%add3A_451, %dma_wait3A_457] : memref<104x128xi32, #tpu.memory_space<vmem>> -> memref<1x128xi32, #tpu.memory_space<vmem>>
      %dma_wait3A_459 = tpu.memref_squeeze %dma_wait3A_458 : memref<1x128xi32, #tpu.memory_space<vmem>> -> memref<128xi32, #tpu.memory_space<vmem>>
      %dma_wait3A_460 = arith.constant 0 : i32
      %dma_wait3A_461 = arith.constant 0 : i32
      %dma_wait3A_462 = tpu.memref_slice %arg3[%dma_wait3A_460, %dma_wait3A_461] : memref<1000000x64xf32, #tpu.memory_space<hbm>> -> memref<1000000x64xf32, #tpu.memory_space<hbm>>
      tpu.wait_indirect_dma semaphore(%arg12 : memref<!tpu.dma_semaphore, #tpu.memory_space<semaphore_mem>>) src(%dma_wait3A_462 : memref<1000000x64xf32, #tpu.memory_space<hbm>>) dst(%dma_wait3A_456 : memref<128x64xf32, #tpu.memory_space<vmem>>)
      %add3A_463 = arith.addi %mul3A_2, %add3A_451 : i32
      %dma_start3A_464 = arith.constant 5 : i32
      %dma_start3A_465 = arith.constant 0 : i32
      %dma_start3A_466 = arith.constant 0 : i32
      %dma_start3A_467 = tpu.memref_slice %arg6[%dma_start3A_464, %dma_start3A_465, %dma_start3A_466] : memref<8x128x64xf32, #tpu.memory_space<vmem>> -> memref<1x128x64xf32, #tpu.memory_space<vmem>>
      %dma_start3A_468 = tpu.memref_squeeze %dma_start3A_467 : memref<1x128x64xf32, #tpu.memory_space<vmem>> -> memref<128x64xf32, #tpu.memory_space<vmem>>
      %dma_start3A_469 = arith.constant 0 : i32
      %dma_start3A_470 = arith.constant 0 : i32
      %dma_start3A_471 = tpu.memref_slice %arg4[%add3A_463, %dma_start3A_469, %dma_start3A_470] : memref<3328x128x64xf32, #tpu.memory_space<hbm>> -> memref<1x128x64xf32, #tpu.memory_space<hbm>>
      %dma_start3A_472 = tpu.memref_squeeze %dma_start3A_471 : memref<1x128x64xf32, #tpu.memory_space<hbm>> -> memref<128x64xf32, #tpu.memory_space<hbm>>
      %dma_start3A_473 = arith.constant 0 : i32
      %dma_start3A_474 = arith.constant 0 : i32
      %dma_start3A_475 = tpu.memref_slice %arg4[%add3A_463, %dma_start3A_473, %dma_start3A_474] : memref<3328x128x64xf32, #tpu.memory_space<hbm>> -> memref<1x128x64xf32, #tpu.memory_space<hbm>>
      %dma_start3A_476 = tpu.memref_squeeze %dma_start3A_475 : memref<1x128x64xf32, #tpu.memory_space<hbm>> -> memref<128x64xf32, #tpu.memory_space<hbm>>
      %dma_start3A_477 = arith.constant 0 : i32
      %dma_start3A_478 = arith.constant 0 : i32
      %dma_start3A_479 = tpu.memref_slice %arg6[%dma_start3A_464, %dma_start3A_477, %dma_start3A_478] : memref<8x128x64xf32, #tpu.memory_space<vmem>> -> memref<1x128x64xf32, #tpu.memory_space<vmem>>
      %dma_start3A_480 = tpu.memref_squeeze %dma_start3A_479 : memref<1x128x64xf32, #tpu.memory_space<vmem>> -> memref<128x64xf32, #tpu.memory_space<vmem>>
      tpu.enqueue_dma source(%dma_start3A_480 : memref<128x64xf32, #tpu.memory_space<vmem>>) target(%dma_start3A_476 : memref<128x64xf32, #tpu.memory_space<hbm>>) target_semaphore(%arg20 : memref<!tpu.dma_semaphore, #tpu.memory_space<semaphore_mem>>)
      %sub3A_481 = arith.constant 4 : i32
      %sub3A_482 = arith.subi %add3A_451, %sub3A_481 : i32
      %ge3A_483 = arith.constant 0 : i32
      %ge3A_484 = arith.cmpi sge, %sub3A_482, %ge3A_483 : i32
      %add3A_485 = arith.constant 8 : i32
      %add3A_486 = arith.addi %sub3A_482, %add3A_485 : i32
      %lt3A_487 = arith.constant 104 : i32
      %lt3A_488 = arith.cmpi slt, %add3A_486, %lt3A_487 : i32
      %and3A_489 = arith.andi %ge3A_484, %lt3A_488 : i1
      %convert_element_type3A_490 = arith.extui %and3A_489 : i1 to i32
      %cond3A_491 = arith.constant 0 : i32
      %cond3A_492 = arith.cmpi ne, %convert_element_type3A_490, %cond3A_491 : i32
      scf.if %cond3A_492 {
        %dma_wait3A_579 = arith.constant 1 : i32
        %dma_wait3A_580 = arith.constant 0 : i32
        %dma_wait3A_581 = arith.constant 0 : i32
        %dma_wait3A_582 = tpu.memref_slice %arg6[%dma_wait3A_579, %dma_wait3A_580, %dma_wait3A_581] : memref<8x128x64xf32, #tpu.memory_space<vmem>> -> memref<1x128x64xf32, #tpu.memory_space<vmem>>
        %dma_wait3A_583 = tpu.memref_squeeze %dma_wait3A_582 : memref<1x128x64xf32, #tpu.memory_space<vmem>> -> memref<128x64xf32, #tpu.memory_space<vmem>>
        %dma_wait3A_584 = arith.constant 0 : i32
        %dma_wait3A_585 = arith.constant 0 : i32
        %dma_wait3A_586 = tpu.memref_slice %arg4[%mul3A_2, %dma_wait3A_584, %dma_wait3A_585] : memref<3328x128x64xf32, #tpu.memory_space<hbm>> -> memref<1x128x64xf32, #tpu.memory_space<hbm>>
        %dma_wait3A_587 = tpu.memref_squeeze %dma_wait3A_586 : memref<1x128x64xf32, #tpu.memory_space<hbm>> -> memref<128x64xf32, #tpu.memory_space<hbm>>
        %dma_wait3A_588 = arith.constant 0 : i32
        %dma_wait3A_589 = arith.constant 0 : i32
        %dma_wait3A_590 = tpu.memref_slice %arg4[%mul3A_2, %dma_wait3A_588, %dma_wait3A_589] : memref<3328x128x64xf32, #tpu.memory_space<hbm>> -> memref<1x128x64xf32, #tpu.memory_space<hbm>>
        %dma_wait3A_591 = tpu.memref_squeeze %dma_wait3A_590 : memref<1x128x64xf32, #tpu.memory_space<hbm>> -> memref<128x64xf32, #tpu.memory_space<hbm>>
        %dma_wait3A_592 = arith.constant 0 : i32
        %dma_wait3A_593 = arith.constant 0 : i32
        %dma_wait3A_594 = tpu.memref_slice %arg6[%dma_wait3A_579, %dma_wait3A_592, %dma_wait3A_593] : memref<8x128x64xf32, #tpu.memory_space<vmem>> -> memref<1x128x64xf32, #tpu.memory_space<vmem>>
        %dma_wait3A_595 = tpu.memref_squeeze %dma_wait3A_594 : memref<1x128x64xf32, #tpu.memory_space<vmem>> -> memref<128x64xf32, #tpu.memory_space<vmem>>
        tpu.wait_dma2 semaphore(%arg16 : memref<!tpu.dma_semaphore, #tpu.memory_space<semaphore_mem>>) src(%dma_wait3A_595 : memref<128x64xf32, #tpu.memory_space<vmem>>) dst(%dma_wait3A_591 : memref<128x64xf32, #tpu.memory_space<hbm>>)
        %add3A_596 = arith.constant 8 : i32
        %add3A_597 = arith.addi %sub3A_482, %add3A_596 : i32
        %dma_start3A_598 = arith.constant 1 : i32
        %dma_start3A_599 = arith.constant 0 : i32
        %dma_start3A_600 = arith.constant 0 : i32
        %dma_start3A_601 = tpu.memref_slice %arg6[%dma_start3A_598, %dma_start3A_599, %dma_start3A_600] : memref<8x128x64xf32, #tpu.memory_space<vmem>> -> memref<1x128x64xf32, #tpu.memory_space<vmem>>
        %dma_start3A_602 = tpu.memref_squeeze %dma_start3A_601 : memref<1x128x64xf32, #tpu.memory_space<vmem>> -> memref<128x64xf32, #tpu.memory_space<vmem>>
        %dma_start3A_603 = arith.constant 0 : i32
        %dma_start3A_604 = tpu.memref_slice %arg5[%add3A_597, %dma_start3A_603] : memref<104x128xi32, #tpu.memory_space<vmem>> -> memref<1x128xi32, #tpu.memory_space<vmem>>
        %dma_start3A_605 = tpu.memref_squeeze %dma_start3A_604 : memref<1x128xi32, #tpu.memory_space<vmem>> -> memref<128xi32, #tpu.memory_space<vmem>>
        %dma_start3A_606 = arith.constant 0 : i32
        %dma_start3A_607 = arith.constant 0 : i32
        %dma_start3A_608 = tpu.memref_slice %arg3[%dma_start3A_606, %dma_start3A_607] : memref<1000000x64xf32, #tpu.memory_space<hbm>> -> memref<1000000x64xf32, #tpu.memory_space<hbm>>
        tpu.enqueue_indirect_dma source(%dma_start3A_608 : memref<1000000x64xf32, #tpu.memory_space<hbm>>) target(%dma_start3A_602 : memref<128x64xf32, #tpu.memory_space<vmem>>) offsets(%dma_start3A_605 : memref<128xi32, #tpu.memory_space<vmem>>) semaphore(%arg8 : memref<!tpu.dma_semaphore, #tpu.memory_space<semaphore_mem>>)
      } else {
      }
      %add3A_493 = arith.constant 6 : i32
      %add3A_494 = arith.addi %mul3A_240, %add3A_493 : i32
      %dma_wait3A_495 = arith.constant 6 : i32
      %dma_wait3A_496 = arith.constant 0 : i32
      %dma_wait3A_497 = arith.constant 0 : i32
      %dma_wait3A_498 = tpu.memref_slice %arg6[%dma_wait3A_495, %dma_wait3A_496, %dma_wait3A_497] : memref<8x128x64xf32, #tpu.memory_space<vmem>> -> memref<1x128x64xf32, #tpu.memory_space<vmem>>
      %dma_wait3A_499 = tpu.memref_squeeze %dma_wait3A_498 : memref<1x128x64xf32, #tpu.memory_space<vmem>> -> memref<128x64xf32, #tpu.memory_space<vmem>>
      %dma_wait3A_500 = arith.constant 0 : i32
      %dma_wait3A_501 = tpu.memref_slice %arg5[%add3A_494, %dma_wait3A_500] : memref<104x128xi32, #tpu.memory_space<vmem>> -> memref<1x128xi32, #tpu.memory_space<vmem>>
      %dma_wait3A_502 = tpu.memref_squeeze %dma_wait3A_501 : memref<1x128xi32, #tpu.memory_space<vmem>> -> memref<128xi32, #tpu.memory_space<vmem>>
      %dma_wait3A_503 = arith.constant 0 : i32
      %dma_wait3A_504 = arith.constant 0 : i32
      %dma_wait3A_505 = tpu.memref_slice %arg3[%dma_wait3A_503, %dma_wait3A_504] : memref<1000000x64xf32, #tpu.memory_space<hbm>> -> memref<1000000x64xf32, #tpu.memory_space<hbm>>
      tpu.wait_indirect_dma semaphore(%arg13 : memref<!tpu.dma_semaphore, #tpu.memory_space<semaphore_mem>>) src(%dma_wait3A_505 : memref<1000000x64xf32, #tpu.memory_space<hbm>>) dst(%dma_wait3A_499 : memref<128x64xf32, #tpu.memory_space<vmem>>)
      %add3A_506 = arith.addi %mul3A_2, %add3A_494 : i32
      %dma_start3A_507 = arith.constant 6 : i32
      %dma_start3A_508 = arith.constant 0 : i32
      %dma_start3A_509 = arith.constant 0 : i32
      %dma_start3A_510 = tpu.memref_slice %arg6[%dma_start3A_507, %dma_start3A_508, %dma_start3A_509] : memref<8x128x64xf32, #tpu.memory_space<vmem>> -> memref<1x128x64xf32, #tpu.memory_space<vmem>>
      %dma_start3A_511 = tpu.memref_squeeze %dma_start3A_510 : memref<1x128x64xf32, #tpu.memory_space<vmem>> -> memref<128x64xf32, #tpu.memory_space<vmem>>
      %dma_start3A_512 = arith.constant 0 : i32
      %dma_start3A_513 = arith.constant 0 : i32
      %dma_start3A_514 = tpu.memref_slice %arg4[%add3A_506, %dma_start3A_512, %dma_start3A_513] : memref<3328x128x64xf32, #tpu.memory_space<hbm>> -> memref<1x128x64xf32, #tpu.memory_space<hbm>>
      %dma_start3A_515 = tpu.memref_squeeze %dma_start3A_514 : memref<1x128x64xf32, #tpu.memory_space<hbm>> -> memref<128x64xf32, #tpu.memory_space<hbm>>
      %dma_start3A_516 = arith.constant 0 : i32
      %dma_start3A_517 = arith.constant 0 : i32
      %dma_start3A_518 = tpu.memref_slice %arg4[%add3A_506, %dma_start3A_516, %dma_start3A_517] : memref<3328x128x64xf32, #tpu.memory_space<hbm>> -> memref<1x128x64xf32, #tpu.memory_space<hbm>>
      %dma_start3A_519 = tpu.memref_squeeze %dma_start3A_518 : memref<1x128x64xf32, #tpu.memory_space<hbm>> -> memref<128x64xf32, #tpu.memory_space<hbm>>
      %dma_start3A_520 = arith.constant 0 : i32
      %dma_start3A_521 = arith.constant 0 : i32
      %dma_start3A_522 = tpu.memref_slice %arg6[%dma_start3A_507, %dma_start3A_520, %dma_start3A_521] : memref<8x128x64xf32, #tpu.memory_space<vmem>> -> memref<1x128x64xf32, #tpu.memory_space<vmem>>
      %dma_start3A_523 = tpu.memref_squeeze %dma_start3A_522 : memref<1x128x64xf32, #tpu.memory_space<vmem>> -> memref<128x64xf32, #tpu.memory_space<vmem>>
      tpu.enqueue_dma source(%dma_start3A_523 : memref<128x64xf32, #tpu.memory_space<vmem>>) target(%dma_start3A_519 : memref<128x64xf32, #tpu.memory_space<hbm>>) target_semaphore(%arg21 : memref<!tpu.dma_semaphore, #tpu.memory_space<semaphore_mem>>)
      %sub3A_524 = arith.constant 4 : i32
      %sub3A_525 = arith.subi %add3A_494, %sub3A_524 : i32
      %ge3A_526 = arith.constant 0 : i32
      %ge3A_527 = arith.cmpi sge, %sub3A_525, %ge3A_526 : i32
      %add3A_528 = arith.constant 8 : i32
      %add3A_529 = arith.addi %sub3A_525, %add3A_528 : i32
      %lt3A_530 = arith.constant 104 : i32
      %lt3A_531 = arith.cmpi slt, %add3A_529, %lt3A_530 : i32
      %and3A_532 = arith.andi %ge3A_527, %lt3A_531 : i1
      %convert_element_type3A_533 = arith.extui %and3A_532 : i1 to i32
      %cond3A_534 = arith.constant 0 : i32
      %cond3A_535 = arith.cmpi ne, %convert_element_type3A_533, %cond3A_534 : i32
      scf.if %cond3A_535 {
        %dma_wait3A_579 = arith.constant 2 : i32
        %dma_wait3A_580 = arith.constant 0 : i32
        %dma_wait3A_581 = arith.constant 0 : i32
        %dma_wait3A_582 = tpu.memref_slice %arg6[%dma_wait3A_579, %dma_wait3A_580, %dma_wait3A_581] : memref<8x128x64xf32, #tpu.memory_space<vmem>> -> memref<1x128x64xf32, #tpu.memory_space<vmem>>
        %dma_wait3A_583 = tpu.memref_squeeze %dma_wait3A_582 : memref<1x128x64xf32, #tpu.memory_space<vmem>> -> memref<128x64xf32, #tpu.memory_space<vmem>>
        %dma_wait3A_584 = arith.constant 0 : i32
        %dma_wait3A_585 = arith.constant 0 : i32
        %dma_wait3A_586 = tpu.memref_slice %arg4[%mul3A_2, %dma_wait3A_584, %dma_wait3A_585] : memref<3328x128x64xf32, #tpu.memory_space<hbm>> -> memref<1x128x64xf32, #tpu.memory_space<hbm>>
        %dma_wait3A_587 = tpu.memref_squeeze %dma_wait3A_586 : memref<1x128x64xf32, #tpu.memory_space<hbm>> -> memref<128x64xf32, #tpu.memory_space<hbm>>
        %dma_wait3A_588 = arith.constant 0 : i32
        %dma_wait3A_589 = arith.constant 0 : i32
        %dma_wait3A_590 = tpu.memref_slice %arg4[%mul3A_2, %dma_wait3A_588, %dma_wait3A_589] : memref<3328x128x64xf32, #tpu.memory_space<hbm>> -> memref<1x128x64xf32, #tpu.memory_space<hbm>>
        %dma_wait3A_591 = tpu.memref_squeeze %dma_wait3A_590 : memref<1x128x64xf32, #tpu.memory_space<hbm>> -> memref<128x64xf32, #tpu.memory_space<hbm>>
        %dma_wait3A_592 = arith.constant 0 : i32
        %dma_wait3A_593 = arith.constant 0 : i32
        %dma_wait3A_594 = tpu.memref_slice %arg6[%dma_wait3A_579, %dma_wait3A_592, %dma_wait3A_593] : memref<8x128x64xf32, #tpu.memory_space<vmem>> -> memref<1x128x64xf32, #tpu.memory_space<vmem>>
        %dma_wait3A_595 = tpu.memref_squeeze %dma_wait3A_594 : memref<1x128x64xf32, #tpu.memory_space<vmem>> -> memref<128x64xf32, #tpu.memory_space<vmem>>
        tpu.wait_dma2 semaphore(%arg17 : memref<!tpu.dma_semaphore, #tpu.memory_space<semaphore_mem>>) src(%dma_wait3A_595 : memref<128x64xf32, #tpu.memory_space<vmem>>) dst(%dma_wait3A_591 : memref<128x64xf32, #tpu.memory_space<hbm>>)
        %add3A_596 = arith.constant 8 : i32
        %add3A_597 = arith.addi %sub3A_525, %add3A_596 : i32
        %dma_start3A_598 = arith.constant 2 : i32
        %dma_start3A_599 = arith.constant 0 : i32
        %dma_start3A_600 = arith.constant 0 : i32
        %dma_start3A_601 = tpu.memref_slice %arg6[%dma_start3A_598, %dma_start3A_599, %dma_start3A_600] : memref<8x128x64xf32, #tpu.memory_space<vmem>> -> memref<1x128x64xf32, #tpu.memory_space<vmem>>
        %dma_start3A_602 = tpu.memref_squeeze %dma_start3A_601 : memref<1x128x64xf32, #tpu.memory_space<vmem>> -> memref<128x64xf32, #tpu.memory_space<vmem>>
        %dma_start3A_603 = arith.constant 0 : i32
        %dma_start3A_604 = tpu.memref_slice %arg5[%add3A_597, %dma_start3A_603] : memref<104x128xi32, #tpu.memory_space<vmem>> -> memref<1x128xi32, #tpu.memory_space<vmem>>
        %dma_start3A_605 = tpu.memref_squeeze %dma_start3A_604 : memref<1x128xi32, #tpu.memory_space<vmem>> -> memref<128xi32, #tpu.memory_space<vmem>>
        %dma_start3A_606 = arith.constant 0 : i32
        %dma_start3A_607 = arith.constant 0 : i32
        %dma_start3A_608 = tpu.memref_slice %arg3[%dma_start3A_606, %dma_start3A_607] : memref<1000000x64xf32, #tpu.memory_space<hbm>> -> memref<1000000x64xf32, #tpu.memory_space<hbm>>
        tpu.enqueue_indirect_dma source(%dma_start3A_608 : memref<1000000x64xf32, #tpu.memory_space<hbm>>) target(%dma_start3A_602 : memref<128x64xf32, #tpu.memory_space<vmem>>) offsets(%dma_start3A_605 : memref<128xi32, #tpu.memory_space<vmem>>) semaphore(%arg9 : memref<!tpu.dma_semaphore, #tpu.memory_space<semaphore_mem>>)
      } else {
      }
      %add3A_536 = arith.constant 7 : i32
      %add3A_537 = arith.addi %mul3A_240, %add3A_536 : i32
      %dma_wait3A_538 = arith.constant 7 : i32
      %dma_wait3A_539 = arith.constant 0 : i32
      %dma_wait3A_540 = arith.constant 0 : i32
      %dma_wait3A_541 = tpu.memref_slice %arg6[%dma_wait3A_538, %dma_wait3A_539, %dma_wait3A_540] : memref<8x128x64xf32, #tpu.memory_space<vmem>> -> memref<1x128x64xf32, #tpu.memory_space<vmem>>
      %dma_wait3A_542 = tpu.memref_squeeze %dma_wait3A_541 : memref<1x128x64xf32, #tpu.memory_space<vmem>> -> memref<128x64xf32, #tpu.memory_space<vmem>>
      %dma_wait3A_543 = arith.constant 0 : i32
      %dma_wait3A_544 = tpu.memref_slice %arg5[%add3A_537, %dma_wait3A_543] : memref<104x128xi32, #tpu.memory_space<vmem>> -> memref<1x128xi32, #tpu.memory_space<vmem>>
      %dma_wait3A_545 = tpu.memref_squeeze %dma_wait3A_544 : memref<1x128xi32, #tpu.memory_space<vmem>> -> memref<128xi32, #tpu.memory_space<vmem>>
      %dma_wait3A_546 = arith.constant 0 : i32
      %dma_wait3A_547 = arith.constant 0 : i32
      %dma_wait3A_548 = tpu.memref_slice %arg3[%dma_wait3A_546, %dma_wait3A_547] : memref<1000000x64xf32, #tpu.memory_space<hbm>> -> memref<1000000x64xf32, #tpu.memory_space<hbm>>
      tpu.wait_indirect_dma semaphore(%arg14 : memref<!tpu.dma_semaphore, #tpu.memory_space<semaphore_mem>>) src(%dma_wait3A_548 : memref<1000000x64xf32, #tpu.memory_space<hbm>>) dst(%dma_wait3A_542 : memref<128x64xf32, #tpu.memory_space<vmem>>)
      %add3A_549 = arith.addi %mul3A_2, %add3A_537 : i32
      %dma_start3A_550 = arith.constant 7 : i32
      %dma_start3A_551 = arith.constant 0 : i32
      %dma_start3A_552 = arith.constant 0 : i32
      %dma_start3A_553 = tpu.memref_slice %arg6[%dma_start3A_550, %dma_start3A_551, %dma_start3A_552] : memref<8x128x64xf32, #tpu.memory_space<vmem>> -> memref<1x128x64xf32, #tpu.memory_space<vmem>>
      %dma_start3A_554 = tpu.memref_squeeze %dma_start3A_553 : memref<1x128x64xf32, #tpu.memory_space<vmem>> -> memref<128x64xf32, #tpu.memory_space<vmem>>
      %dma_start3A_555 = arith.constant 0 : i32
      %dma_start3A_556 = arith.constant 0 : i32
      %dma_start3A_557 = tpu.memref_slice %arg4[%add3A_549, %dma_start3A_555, %dma_start3A_556] : memref<3328x128x64xf32, #tpu.memory_space<hbm>> -> memref<1x128x64xf32, #tpu.memory_space<hbm>>
      %dma_start3A_558 = tpu.memref_squeeze %dma_start3A_557 : memref<1x128x64xf32, #tpu.memory_space<hbm>> -> memref<128x64xf32, #tpu.memory_space<hbm>>
      %dma_start3A_559 = arith.constant 0 : i32
      %dma_start3A_560 = arith.constant 0 : i32
      %dma_start3A_561 = tpu.memref_slice %arg4[%add3A_549, %dma_start3A_559, %dma_start3A_560] : memref<3328x128x64xf32, #tpu.memory_space<hbm>> -> memref<1x128x64xf32, #tpu.memory_space<hbm>>
      %dma_start3A_562 = tpu.memref_squeeze %dma_start3A_561 : memref<1x128x64xf32, #tpu.memory_space<hbm>> -> memref<128x64xf32, #tpu.memory_space<hbm>>
      %dma_start3A_563 = arith.constant 0 : i32
      %dma_start3A_564 = arith.constant 0 : i32
      %dma_start3A_565 = tpu.memref_slice %arg6[%dma_start3A_550, %dma_start3A_563, %dma_start3A_564] : memref<8x128x64xf32, #tpu.memory_space<vmem>> -> memref<1x128x64xf32, #tpu.memory_space<vmem>>
      %dma_start3A_566 = tpu.memref_squeeze %dma_start3A_565 : memref<1x128x64xf32, #tpu.memory_space<vmem>> -> memref<128x64xf32, #tpu.memory_space<vmem>>
      tpu.enqueue_dma source(%dma_start3A_566 : memref<128x64xf32, #tpu.memory_space<vmem>>) target(%dma_start3A_562 : memref<128x64xf32, #tpu.memory_space<hbm>>) target_semaphore(%arg22 : memref<!tpu.dma_semaphore, #tpu.memory_space<semaphore_mem>>)
      %sub3A_567 = arith.constant 4 : i32
      %sub3A_568 = arith.subi %add3A_537, %sub3A_567 : i32
      %ge3A_569 = arith.constant 0 : i32
      %ge3A_570 = arith.cmpi sge, %sub3A_568, %ge3A_569 : i32
      %add3A_571 = arith.constant 8 : i32
      %add3A_572 = arith.addi %sub3A_568, %add3A_571 : i32
      %lt3A_573 = arith.constant 104 : i32
      %lt3A_574 = arith.cmpi slt, %add3A_572, %lt3A_573 : i32
      %and3A_575 = arith.andi %ge3A_570, %lt3A_574 : i1
      %convert_element_type3A_576 = arith.extui %and3A_575 : i1 to i32
      %cond3A_577 = arith.constant 0 : i32
      %cond3A_578 = arith.cmpi ne, %convert_element_type3A_576, %cond3A_577 : i32
      scf.if %cond3A_578 {
        %dma_wait3A_579 = arith.constant 3 : i32
        %dma_wait3A_580 = arith.constant 0 : i32
        %dma_wait3A_581 = arith.constant 0 : i32
        %dma_wait3A_582 = tpu.memref_slice %arg6[%dma_wait3A_579, %dma_wait3A_580, %dma_wait3A_581] : memref<8x128x64xf32, #tpu.memory_space<vmem>> -> memref<1x128x64xf32, #tpu.memory_space<vmem>>
        %dma_wait3A_583 = tpu.memref_squeeze %dma_wait3A_582 : memref<1x128x64xf32, #tpu.memory_space<vmem>> -> memref<128x64xf32, #tpu.memory_space<vmem>>
        %dma_wait3A_584 = arith.constant 0 : i32
        %dma_wait3A_585 = arith.constant 0 : i32
        %dma_wait3A_586 = tpu.memref_slice %arg4[%mul3A_2, %dma_wait3A_584, %dma_wait3A_585] : memref<3328x128x64xf32, #tpu.memory_space<hbm>> -> memref<1x128x64xf32, #tpu.memory_space<hbm>>
        %dma_wait3A_587 = tpu.memref_squeeze %dma_wait3A_586 : memref<1x128x64xf32, #tpu.memory_space<hbm>> -> memref<128x64xf32, #tpu.memory_space<hbm>>
        %dma_wait3A_588 = arith.constant 0 : i32
        %dma_wait3A_589 = arith.constant 0 : i32
        %dma_wait3A_590 = tpu.memref_slice %arg4[%mul3A_2, %dma_wait3A_588, %dma_wait3A_589] : memref<3328x128x64xf32, #tpu.memory_space<hbm>> -> memref<1x128x64xf32, #tpu.memory_space<hbm>>
        %dma_wait3A_591 = tpu.memref_squeeze %dma_wait3A_590 : memref<1x128x64xf32, #tpu.memory_space<hbm>> -> memref<128x64xf32, #tpu.memory_space<hbm>>
        %dma_wait3A_592 = arith.constant 0 : i32
        %dma_wait3A_593 = arith.constant 0 : i32
        %dma_wait3A_594 = tpu.memref_slice %arg6[%dma_wait3A_579, %dma_wait3A_592, %dma_wait3A_593] : memref<8x128x64xf32, #tpu.memory_space<vmem>> -> memref<1x128x64xf32, #tpu.memory_space<vmem>>
        %dma_wait3A_595 = tpu.memref_squeeze %dma_wait3A_594 : memref<1x128x64xf32, #tpu.memory_space<vmem>> -> memref<128x64xf32, #tpu.memory_space<vmem>>
        tpu.wait_dma2 semaphore(%arg18 : memref<!tpu.dma_semaphore, #tpu.memory_space<semaphore_mem>>) src(%dma_wait3A_595 : memref<128x64xf32, #tpu.memory_space<vmem>>) dst(%dma_wait3A_591 : memref<128x64xf32, #tpu.memory_space<hbm>>)
        %add3A_596 = arith.constant 8 : i32
        %add3A_597 = arith.addi %sub3A_568, %add3A_596 : i32
        %dma_start3A_598 = arith.constant 3 : i32
        %dma_start3A_599 = arith.constant 0 : i32
        %dma_start3A_600 = arith.constant 0 : i32
        %dma_start3A_601 = tpu.memref_slice %arg6[%dma_start3A_598, %dma_start3A_599, %dma_start3A_600] : memref<8x128x64xf32, #tpu.memory_space<vmem>> -> memref<1x128x64xf32, #tpu.memory_space<vmem>>
        %dma_start3A_602 = tpu.memref_squeeze %dma_start3A_601 : memref<1x128x64xf32, #tpu.memory_space<vmem>> -> memref<128x64xf32, #tpu.memory_space<vmem>>
        %dma_start3A_603 = arith.constant 0 : i32
        %dma_start3A_604 = tpu.memref_slice %arg5[%add3A_597, %dma_start3A_603] : memref<104x128xi32, #tpu.memory_space<vmem>> -> memref<1x128xi32, #tpu.memory_space<vmem>>
        %dma_start3A_605 = tpu.memref_squeeze %dma_start3A_604 : memref<1x128xi32, #tpu.memory_space<vmem>> -> memref<128xi32, #tpu.memory_space<vmem>>
        %dma_start3A_606 = arith.constant 0 : i32
        %dma_start3A_607 = arith.constant 0 : i32
        %dma_start3A_608 = tpu.memref_slice %arg3[%dma_start3A_606, %dma_start3A_607] : memref<1000000x64xf32, #tpu.memory_space<hbm>> -> memref<1000000x64xf32, #tpu.memory_space<hbm>>
        tpu.enqueue_indirect_dma source(%dma_start3A_608 : memref<1000000x64xf32, #tpu.memory_space<hbm>>) target(%dma_start3A_602 : memref<128x64xf32, #tpu.memory_space<vmem>>) offsets(%dma_start3A_605 : memref<128xi32, #tpu.memory_space<vmem>>) semaphore(%arg10 : memref<!tpu.dma_semaphore, #tpu.memory_space<semaphore_mem>>)
      } else {
      }
    }
    %scan3A_102 = arith.constant 13 : i32
    %dma_wait3A = arith.constant 0 : i32
    %dma_wait3A_103 = arith.constant 0 : i32
    %dma_wait3A_104 = arith.constant 0 : i32
    %dma_wait3A_105 = tpu.memref_slice %arg6[%dma_wait3A, %dma_wait3A_103, %dma_wait3A_104] : memref<8x128x64xf32, #tpu.memory_space<vmem>> -> memref<1x128x64xf32, #tpu.memory_space<vmem>>
    %dma_wait3A_106 = tpu.memref_squeeze %dma_wait3A_105 : memref<1x128x64xf32, #tpu.memory_space<vmem>> -> memref<128x64xf32, #tpu.memory_space<vmem>>
    %dma_wait3A_107 = arith.constant 0 : i32
    %dma_wait3A_108 = arith.constant 0 : i32
    %dma_wait3A_109 = tpu.memref_slice %arg4[%mul3A_2, %dma_wait3A_107, %dma_wait3A_108] : memref<3328x128x64xf32, #tpu.memory_space<hbm>> -> memref<1x128x64xf32, #tpu.memory_space<hbm>>
    %dma_wait3A_110 = tpu.memref_squeeze %dma_wait3A_109 : memref<1x128x64xf32, #tpu.memory_space<hbm>> -> memref<128x64xf32, #tpu.memory_space<hbm>>
    %dma_wait3A_111 = arith.constant 0 : i32
    %dma_wait3A_112 = arith.constant 0 : i32
    %dma_wait3A_113 = tpu.memref_slice %arg4[%mul3A_2, %dma_wait3A_111, %dma_wait3A_112] : memref<3328x128x64xf32, #tpu.memory_space<hbm>> -> memref<1x128x64xf32, #tpu.memory_space<hbm>>
    %dma_wait3A_114 = tpu.memref_squeeze %dma_wait3A_113 : memref<1x128x64xf32, #tpu.memory_space<hbm>> -> memref<128x64xf32, #tpu.memory_space<hbm>>
    %dma_wait3A_115 = arith.constant 0 : i32
    %dma_wait3A_116 = arith.constant 0 : i32
    %dma_wait3A_117 = tpu.memref_slice %arg6[%dma_wait3A, %dma_wait3A_115, %dma_wait3A_116] : memref<8x128x64xf32, #tpu.memory_space<vmem>> -> memref<1x128x64xf32, #tpu.memory_space<vmem>>
    %dma_wait3A_118 = tpu.memref_squeeze %dma_wait3A_117 : memref<1x128x64xf32, #tpu.memory_space<vmem>> -> memref<128x64xf32, #tpu.memory_space<vmem>>
    tpu.wait_dma2 semaphore(%arg15 : memref<!tpu.dma_semaphore, #tpu.memory_space<semaphore_mem>>) src(%dma_wait3A_118 : memref<128x64xf32, #tpu.memory_space<vmem>>) dst(%dma_wait3A_114 : memref<128x64xf32, #tpu.memory_space<hbm>>)
    %dma_wait3A_119 = arith.constant 1 : i32
    %dma_wait3A_120 = arith.constant 0 : i32
    %dma_wait3A_121 = arith.constant 0 : i32
    %dma_wait3A_122 = tpu.memref_slice %arg6[%dma_wait3A_119, %dma_wait3A_120, %dma_wait3A_121] : memref<8x128x64xf32, #tpu.memory_space<vmem>> -> memref<1x128x64xf32, #tpu.memory_space<vmem>>
    %dma_wait3A_123 = tpu.memref_squeeze %dma_wait3A_122 : memref<1x128x64xf32, #tpu.memory_space<vmem>> -> memref<128x64xf32, #tpu.memory_space<vmem>>
    %dma_wait3A_124 = arith.constant 0 : i32
    %dma_wait3A_125 = arith.constant 0 : i32
    %dma_wait3A_126 = tpu.memref_slice %arg4[%mul3A_2, %dma_wait3A_124, %dma_wait3A_125] : memref<3328x128x64xf32, #tpu.memory_space<hbm>> -> memref<1x128x64xf32, #tpu.memory_space<hbm>>
    %dma_wait3A_127 = tpu.memref_squeeze %dma_wait3A_126 : memref<1x128x64xf32, #tpu.memory_space<hbm>> -> memref<128x64xf32, #tpu.memory_space<hbm>>
    %dma_wait3A_128 = arith.constant 0 : i32
    %dma_wait3A_129 = arith.constant 0 : i32
    %dma_wait3A_130 = tpu.memref_slice %arg4[%mul3A_2, %dma_wait3A_128, %dma_wait3A_129] : memref<3328x128x64xf32, #tpu.memory_space<hbm>> -> memref<1x128x64xf32, #tpu.memory_space<hbm>>
    %dma_wait3A_131 = tpu.memref_squeeze %dma_wait3A_130 : memref<1x128x64xf32, #tpu.memory_space<hbm>> -> memref<128x64xf32, #tpu.memory_space<hbm>>
    %dma_wait3A_132 = arith.constant 0 : i32
    %dma_wait3A_133 = arith.constant 0 : i32
    %dma_wait3A_134 = tpu.memref_slice %arg6[%dma_wait3A_119, %dma_wait3A_132, %dma_wait3A_133] : memref<8x128x64xf32, #tpu.memory_space<vmem>> -> memref<1x128x64xf32, #tpu.memory_space<vmem>>
    %dma_wait3A_135 = tpu.memref_squeeze %dma_wait3A_134 : memref<1x128x64xf32, #tpu.memory_space<vmem>> -> memref<128x64xf32, #tpu.memory_space<vmem>>
    tpu.wait_dma2 semaphore(%arg16 : memref<!tpu.dma_semaphore, #tpu.memory_space<semaphore_mem>>) src(%dma_wait3A_135 : memref<128x64xf32, #tpu.memory_space<vmem>>) dst(%dma_wait3A_131 : memref<128x64xf32, #tpu.memory_space<hbm>>)
    %dma_wait3A_136 = arith.constant 2 : i32
    %dma_wait3A_137 = arith.constant 0 : i32
    %dma_wait3A_138 = arith.constant 0 : i32
    %dma_wait3A_139 = tpu.memref_slice %arg6[%dma_wait3A_136, %dma_wait3A_137, %dma_wait3A_138] : memref<8x128x64xf32, #tpu.memory_space<vmem>> -> memref<1x128x64xf32, #tpu.memory_space<vmem>>
    %dma_wait3A_140 = tpu.memref_squeeze %dma_wait3A_139 : memref<1x128x64xf32, #tpu.memory_space<vmem>> -> memref<128x64xf32, #tpu.memory_space<vmem>>
    %dma_wait3A_141 = arith.constant 0 : i32
    %dma_wait3A_142 = arith.constant 0 : i32
    %dma_wait3A_143 = tpu.memref_slice %arg4[%mul3A_2, %dma_wait3A_141, %dma_wait3A_142] : memref<3328x128x64xf32, #tpu.memory_space<hbm>> -> memref<1x128x64xf32, #tpu.memory_space<hbm>>
    %dma_wait3A_144 = tpu.memref_squeeze %dma_wait3A_143 : memref<1x128x64xf32, #tpu.memory_space<hbm>> -> memref<128x64xf32, #tpu.memory_space<hbm>>
    %dma_wait3A_145 = arith.constant 0 : i32
    %dma_wait3A_146 = arith.constant 0 : i32
    %dma_wait3A_147 = tpu.memref_slice %arg4[%mul3A_2, %dma_wait3A_145, %dma_wait3A_146] : memref<3328x128x64xf32, #tpu.memory_space<hbm>> -> memref<1x128x64xf32, #tpu.memory_space<hbm>>
    %dma_wait3A_148 = tpu.memref_squeeze %dma_wait3A_147 : memref<1x128x64xf32, #tpu.memory_space<hbm>> -> memref<128x64xf32, #tpu.memory_space<hbm>>
    %dma_wait3A_149 = arith.constant 0 : i32
    %dma_wait3A_150 = arith.constant 0 : i32
    %dma_wait3A_151 = tpu.memref_slice %arg6[%dma_wait3A_136, %dma_wait3A_149, %dma_wait3A_150] : memref<8x128x64xf32, #tpu.memory_space<vmem>> -> memref<1x128x64xf32, #tpu.memory_space<vmem>>
    %dma_wait3A_152 = tpu.memref_squeeze %dma_wait3A_151 : memref<1x128x64xf32, #tpu.memory_space<vmem>> -> memref<128x64xf32, #tpu.memory_space<vmem>>
    tpu.wait_dma2 semaphore(%arg17 : memref<!tpu.dma_semaphore, #tpu.memory_space<semaphore_mem>>) src(%dma_wait3A_152 : memref<128x64xf32, #tpu.memory_space<vmem>>) dst(%dma_wait3A_148 : memref<128x64xf32, #tpu.memory_space<hbm>>)
    %dma_wait3A_153 = arith.constant 3 : i32
    %dma_wait3A_154 = arith.constant 0 : i32
    %dma_wait3A_155 = arith.constant 0 : i32
    %dma_wait3A_156 = tpu.memref_slice %arg6[%dma_wait3A_153, %dma_wait3A_154, %dma_wait3A_155] : memref<8x128x64xf32, #tpu.memory_space<vmem>> -> memref<1x128x64xf32, #tpu.memory_space<vmem>>
    %dma_wait3A_157 = tpu.memref_squeeze %dma_wait3A_156 : memref<1x128x64xf32, #tpu.memory_space<vmem>> -> memref<128x64xf32, #tpu.memory_space<vmem>>
    %dma_wait3A_158 = arith.constant 0 : i32
    %dma_wait3A_159 = arith.constant 0 : i32
    %dma_wait3A_160 = tpu.memref_slice %arg4[%mul3A_2, %dma_wait3A_158, %dma_wait3A_159] : memref<3328x128x64xf32, #tpu.memory_space<hbm>> -> memref<1x128x64xf32, #tpu.memory_space<hbm>>
    %dma_wait3A_161 = tpu.memref_squeeze %dma_wait3A_160 : memref<1x128x64xf32, #tpu.memory_space<hbm>> -> memref<128x64xf32, #tpu.memory_space<hbm>>
    %dma_wait3A_162 = arith.constant 0 : i32
    %dma_wait3A_163 = arith.constant 0 : i32
    %dma_wait3A_164 = tpu.memref_slice %arg4[%mul3A_2, %dma_wait3A_162, %dma_wait3A_163] : memref<3328x128x64xf32, #tpu.memory_space<hbm>> -> memref<1x128x64xf32, #tpu.memory_space<hbm>>
    %dma_wait3A_165 = tpu.memref_squeeze %dma_wait3A_164 : memref<1x128x64xf32, #tpu.memory_space<hbm>> -> memref<128x64xf32, #tpu.memory_space<hbm>>
    %dma_wait3A_166 = arith.constant 0 : i32
    %dma_wait3A_167 = arith.constant 0 : i32
    %dma_wait3A_168 = tpu.memref_slice %arg6[%dma_wait3A_153, %dma_wait3A_166, %dma_wait3A_167] : memref<8x128x64xf32, #tpu.memory_space<vmem>> -> memref<1x128x64xf32, #tpu.memory_space<vmem>>
    %dma_wait3A_169 = tpu.memref_squeeze %dma_wait3A_168 : memref<1x128x64xf32, #tpu.memory_space<vmem>> -> memref<128x64xf32, #tpu.memory_space<vmem>>
    tpu.wait_dma2 semaphore(%arg18 : memref<!tpu.dma_semaphore, #tpu.memory_space<semaphore_mem>>) src(%dma_wait3A_169 : memref<128x64xf32, #tpu.memory_space<vmem>>) dst(%dma_wait3A_165 : memref<128x64xf32, #tpu.memory_space<hbm>>)
    %dma_wait3A_170 = arith.constant 4 : i32
    %dma_wait3A_171 = arith.constant 0 : i32
    %dma_wait3A_172 = arith.constant 0 : i32
    %dma_wait3A_173 = tpu.memref_slice %arg6[%dma_wait3A_170, %dma_wait3A_171, %dma_wait3A_172] : memref<8x128x64xf32, #tpu.memory_space<vmem>> -> memref<1x128x64xf32, #tpu.memory_space<vmem>>
    %dma_wait3A_174 = tpu.memref_squeeze %dma_wait3A_173 : memref<1x128x64xf32, #tpu.memory_space<vmem>> -> memref<128x64xf32, #tpu.memory_space<vmem>>
    %dma_wait3A_175 = arith.constant 0 : i32
    %dma_wait3A_176 = arith.constant 0 : i32
    %dma_wait3A_177 = tpu.memref_slice %arg4[%mul3A_2, %dma_wait3A_175, %dma_wait3A_176] : memref<3328x128x64xf32, #tpu.memory_space<hbm>> -> memref<1x128x64xf32, #tpu.memory_space<hbm>>
    %dma_wait3A_178 = tpu.memref_squeeze %dma_wait3A_177 : memref<1x128x64xf32, #tpu.memory_space<hbm>> -> memref<128x64xf32, #tpu.memory_space<hbm>>
    %dma_wait3A_179 = arith.constant 0 : i32
    %dma_wait3A_180 = arith.constant 0 : i32
    %dma_wait3A_181 = tpu.memref_slice %arg4[%mul3A_2, %dma_wait3A_179, %dma_wait3A_180] : memref<3328x128x64xf32, #tpu.memory_space<hbm>> -> memref<1x128x64xf32, #tpu.memory_space<hbm>>
    %dma_wait3A_182 = tpu.memref_squeeze %dma_wait3A_181 : memref<1x128x64xf32, #tpu.memory_space<hbm>> -> memref<128x64xf32, #tpu.memory_space<hbm>>
    %dma_wait3A_183 = arith.constant 0 : i32
    %dma_wait3A_184 = arith.constant 0 : i32
    %dma_wait3A_185 = tpu.memref_slice %arg6[%dma_wait3A_170, %dma_wait3A_183, %dma_wait3A_184] : memref<8x128x64xf32, #tpu.memory_space<vmem>> -> memref<1x128x64xf32, #tpu.memory_space<vmem>>
    %dma_wait3A_186 = tpu.memref_squeeze %dma_wait3A_185 : memref<1x128x64xf32, #tpu.memory_space<vmem>> -> memref<128x64xf32, #tpu.memory_space<vmem>>
    tpu.wait_dma2 semaphore(%arg19 : memref<!tpu.dma_semaphore, #tpu.memory_space<semaphore_mem>>) src(%dma_wait3A_186 : memref<128x64xf32, #tpu.memory_space<vmem>>) dst(%dma_wait3A_182 : memref<128x64xf32, #tpu.memory_space<hbm>>)
    %dma_wait3A_187 = arith.constant 5 : i32
    %dma_wait3A_188 = arith.constant 0 : i32
    %dma_wait3A_189 = arith.constant 0 : i32
    %dma_wait3A_190 = tpu.memref_slice %arg6[%dma_wait3A_187, %dma_wait3A_188, %dma_wait3A_189] : memref<8x128x64xf32, #tpu.memory_space<vmem>> -> memref<1x128x64xf32, #tpu.memory_space<vmem>>
    %dma_wait3A_191 = tpu.memref_squeeze %dma_wait3A_190 : memref<1x128x64xf32, #tpu.memory_space<vmem>> -> memref<128x64xf32, #tpu.memory_space<vmem>>
    %dma_wait3A_192 = arith.constant 0 : i32
    %dma_wait3A_193 = arith.constant 0 : i32
    %dma_wait3A_194 = tpu.memref_slice %arg4[%mul3A_2, %dma_wait3A_192, %dma_wait3A_193] : memref<3328x128x64xf32, #tpu.memory_space<hbm>> -> memref<1x128x64xf32, #tpu.memory_space<hbm>>
    %dma_wait3A_195 = tpu.memref_squeeze %dma_wait3A_194 : memref<1x128x64xf32, #tpu.memory_space<hbm>> -> memref<128x64xf32, #tpu.memory_space<hbm>>
    %dma_wait3A_196 = arith.constant 0 : i32
    %dma_wait3A_197 = arith.constant 0 : i32
    %dma_wait3A_198 = tpu.memref_slice %arg4[%mul3A_2, %dma_wait3A_196, %dma_wait3A_197] : memref<3328x128x64xf32, #tpu.memory_space<hbm>> -> memref<1x128x64xf32, #tpu.memory_space<hbm>>
    %dma_wait3A_199 = tpu.memref_squeeze %dma_wait3A_198 : memref<1x128x64xf32, #tpu.memory_space<hbm>> -> memref<128x64xf32, #tpu.memory_space<hbm>>
    %dma_wait3A_200 = arith.constant 0 : i32
    %dma_wait3A_201 = arith.constant 0 : i32
    %dma_wait3A_202 = tpu.memref_slice %arg6[%dma_wait3A_187, %dma_wait3A_200, %dma_wait3A_201] : memref<8x128x64xf32, #tpu.memory_space<vmem>> -> memref<1x128x64xf32, #tpu.memory_space<vmem>>
    %dma_wait3A_203 = tpu.memref_squeeze %dma_wait3A_202 : memref<1x128x64xf32, #tpu.memory_space<vmem>> -> memref<128x64xf32, #tpu.memory_space<vmem>>
    tpu.wait_dma2 semaphore(%arg20 : memref<!tpu.dma_semaphore, #tpu.memory_space<semaphore_mem>>) src(%dma_wait3A_203 : memref<128x64xf32, #tpu.memory_space<vmem>>) dst(%dma_wait3A_199 : memref<128x64xf32, #tpu.memory_space<hbm>>)
    %dma_wait3A_204 = arith.constant 6 : i32
    %dma_wait3A_205 = arith.constant 0 : i32
    %dma_wait3A_206 = arith.constant 0 : i32
    %dma_wait3A_207 = tpu.memref_slice %arg6[%dma_wait3A_204, %dma_wait3A_205, %dma_wait3A_206] : memref<8x128x64xf32, #tpu.memory_space<vmem>> -> memref<1x128x64xf32, #tpu.memory_space<vmem>>
    %dma_wait3A_208 = tpu.memref_squeeze %dma_wait3A_207 : memref<1x128x64xf32, #tpu.memory_space<vmem>> -> memref<128x64xf32, #tpu.memory_space<vmem>>
    %dma_wait3A_209 = arith.constant 0 : i32
    %dma_wait3A_210 = arith.constant 0 : i32
    %dma_wait3A_211 = tpu.memref_slice %arg4[%mul3A_2, %dma_wait3A_209, %dma_wait3A_210] : memref<3328x128x64xf32, #tpu.memory_space<hbm>> -> memref<1x128x64xf32, #tpu.memory_space<hbm>>
    %dma_wait3A_212 = tpu.memref_squeeze %dma_wait3A_211 : memref<1x128x64xf32, #tpu.memory_space<hbm>> -> memref<128x64xf32, #tpu.memory_space<hbm>>
    %dma_wait3A_213 = arith.constant 0 : i32
    %dma_wait3A_214 = arith.constant 0 : i32
    %dma_wait3A_215 = tpu.memref_slice %arg4[%mul3A_2, %dma_wait3A_213, %dma_wait3A_214] : memref<3328x128x64xf32, #tpu.memory_space<hbm>> -> memref<1x128x64xf32, #tpu.memory_space<hbm>>
    %dma_wait3A_216 = tpu.memref_squeeze %dma_wait3A_215 : memref<1x128x64xf32, #tpu.memory_space<hbm>> -> memref<128x64xf32, #tpu.memory_space<hbm>>
    %dma_wait3A_217 = arith.constant 0 : i32
    %dma_wait3A_218 = arith.constant 0 : i32
    %dma_wait3A_219 = tpu.memref_slice %arg6[%dma_wait3A_204, %dma_wait3A_217, %dma_wait3A_218] : memref<8x128x64xf32, #tpu.memory_space<vmem>> -> memref<1x128x64xf32, #tpu.memory_space<vmem>>
    %dma_wait3A_220 = tpu.memref_squeeze %dma_wait3A_219 : memref<1x128x64xf32, #tpu.memory_space<vmem>> -> memref<128x64xf32, #tpu.memory_space<vmem>>
    tpu.wait_dma2 semaphore(%arg21 : memref<!tpu.dma_semaphore, #tpu.memory_space<semaphore_mem>>) src(%dma_wait3A_220 : memref<128x64xf32, #tpu.memory_space<vmem>>) dst(%dma_wait3A_216 : memref<128x64xf32, #tpu.memory_space<hbm>>)
    %dma_wait3A_221 = arith.constant 7 : i32
    %dma_wait3A_222 = arith.constant 0 : i32
    %dma_wait3A_223 = arith.constant 0 : i32
    %dma_wait3A_224 = tpu.memref_slice %arg6[%dma_wait3A_221, %dma_wait3A_222, %dma_wait3A_223] : memref<8x128x64xf32, #tpu.memory_space<vmem>> -> memref<1x128x64xf32, #tpu.memory_space<vmem>>
    %dma_wait3A_225 = tpu.memref_squeeze %dma_wait3A_224 : memref<1x128x64xf32, #tpu.memory_space<vmem>> -> memref<128x64xf32, #tpu.memory_space<vmem>>
    %dma_wait3A_226 = arith.constant 0 : i32
    %dma_wait3A_227 = arith.constant 0 : i32
    %dma_wait3A_228 = tpu.memref_slice %arg4[%mul3A_2, %dma_wait3A_226, %dma_wait3A_227] : memref<3328x128x64xf32, #tpu.memory_space<hbm>> -> memref<1x128x64xf32, #tpu.memory_space<hbm>>
    %dma_wait3A_229 = tpu.memref_squeeze %dma_wait3A_228 : memref<1x128x64xf32, #tpu.memory_space<hbm>> -> memref<128x64xf32, #tpu.memory_space<hbm>>
    %dma_wait3A_230 = arith.constant 0 : i32
    %dma_wait3A_231 = arith.constant 0 : i32
    %dma_wait3A_232 = tpu.memref_slice %arg4[%mul3A_2, %dma_wait3A_230, %dma_wait3A_231] : memref<3328x128x64xf32, #tpu.memory_space<hbm>> -> memref<1x128x64xf32, #tpu.memory_space<hbm>>
    %dma_wait3A_233 = tpu.memref_squeeze %dma_wait3A_232 : memref<1x128x64xf32, #tpu.memory_space<hbm>> -> memref<128x64xf32, #tpu.memory_space<hbm>>
    %dma_wait3A_234 = arith.constant 0 : i32
    %dma_wait3A_235 = arith.constant 0 : i32
    %dma_wait3A_236 = tpu.memref_slice %arg6[%dma_wait3A_221, %dma_wait3A_234, %dma_wait3A_235] : memref<8x128x64xf32, #tpu.memory_space<vmem>> -> memref<1x128x64xf32, #tpu.memory_space<vmem>>
    %dma_wait3A_237 = tpu.memref_squeeze %dma_wait3A_236 : memref<1x128x64xf32, #tpu.memory_space<vmem>> -> memref<128x64xf32, #tpu.memory_space<vmem>>
    tpu.wait_dma2 semaphore(%arg22 : memref<!tpu.dma_semaphore, #tpu.memory_space<semaphore_mem>>) src(%dma_wait3A_237 : memref<128x64xf32, #tpu.memory_space<vmem>>) dst(%dma_wait3A_233 : memref<128x64xf32, #tpu.memory_space<hbm>>)
    return
  }
}

</mosaic_0001>

<sc_bundles>
// kernel: _sc_gather.3.cloned.1.call-start
scs
__scs_entry_jumppad:
0x0: {  	(pc) =	sbr.rel $0x88, $3  }
0x1: {  	(tag) =	ssettag $0x0;
	lr =	simm.s32 $0x1  }
0x2: {  	[smem:$0x3F9F] =	sst lr;
	_ =	strace $0xD0000000  }
0x3: {  	_ = 	snop  }
0x4: {  	_ = 	snop  }
0x5: {  	_ = 	snop  }
0x6: {  	_ = 	snop  }
0x7: {  	_ = 	snop  }
__scs_overlays_trampoline_lowered:
0x8: {  	[smem:$0x3FAE] =	sst s0  }
0x9: {  	[smem:$0x3FAF] =	sst s1  }
0xa: {  	[smem:$0x3FB0] =	sst s2  }
0xb: {  	[smem:$0x3FB1] =	sst s3  }
0xc: {  	[smem:$0x3FB2] =	sst s4  }
0xd: {  	[smem:$0x3FB3] =	sst s5  }
0xe: {  	[smem:$0x3FB4] =	sst s6  }
0xf: {  	[smem:$0x3FB5] =	sst s7  }
0x10: {  	[smem:$0x3FB6] =	sst s8  }
0x11: {  	[smem:$0x3FB7] =	sst s9;
	s0 =	simm.s32 @!p0 $0x0  }
0x12: {  	s1 =	sld [smem:$0x3F9D];
	s0 =	simm.s32 @p0 $0x1  }
0x13: {  	[smem:$0x3FB8] =	sst s0;
	s0 =	simm.s32 @!p1 $0x0  }
0x14: {  	s2 =	sld [smem:$0x3F9C];
	s0 =	simm.s32 @p1 $0x1  }
0x15: {  	[smem:$0x3FB9] =	sst s0;
	s0 =	simm.s32 @!p2 $0x0  }
0x16: {  	s3 =	sld [smem:$0x3FDB];
	s0 =	simm.s32 @p2 $0x1  }
0x17: {  	s4 =	simm.s32 $0x1BF5;
	[smem:$0x3FBB] =	sst s0  }
0x18: {  	s0 =	sld [smem:$0x3F9E];
	_ =	swait.ge [sflag:s4], $0x0  }
0x19: {  	s7 =	sld [smem:$0x3F9F]  }
0x1a: {  	s8 =	sadd.s32 $0xFFFFE003, lr  }
0x1b: {  	s9 =	sadd.s32 $0xFFFFFEF7, lr;
	s5 =	simm.s32 $0xFFFFFFFF;
	p2 =	slt.u32 s8, $0xFFFFF086  }
0x1c: {  	p1 =	slt.u32 s9, $0xF7A;
	s5 =	simm.s32 @!p2 $0x0  }
0x1d: {  	s5 =	simm.s32 @p1 $0x1;
	p0 =	seq.s32 s7, s2  }
0x1e: {  	s7 =	smul.u32 @!p0 $0xF7A, s2;
	p2 =	seq.s32 @!p0 s5, $0x0  }
0x1f: {  	s9 =	smul.u32 $0xF7A, s1;
	s8 =	simm.s32 @!p0 $0x1BF5;
	p2 =	por !p2, p0  }
0x20: {  	[sflag:s8] =	ssyncset.s32 @!p0 $0xFFFFF086;
	s6 =	sadd.s32 @!p0 s3, s7;
	s7 =	simm.s32 @!p0 $0x108  }
0x21: {  	s3 =	sadd.s32 s3, s9;
	s6 =	sadd.s32 @!p0 $0x88, s6;
	s7 =	simm.s32 @p2 $0x1082  }
0x22: {  	[simem:s7], [sflag:s8] =	dma.local @!p0 [hbm:s6], $0xF7A  }
0x23: {  	s9 =	sor.u32 $0xD0000000, s2;
	s6 =	simm.s32 $0x108;
	_ =	swait.ge @!p0 [sflag:s8], $0x0  }
0x24: {  	s3 =	sadd.s32 $0x88, s3;
	s6 =	simm.s32 @!p1 $0x1082;
	[sflag:s4] =	ssyncset.s32 $0xFFFFF086  }
0x25: {  	[simem:s6], [sflag:s4] =	dma.local [hbm:s3], $0xF7A  }
0x26: {  	[smem:$0x3F9F] =	sst s1;
	(tag) =	ssettag s2;
	_ =	strace s9  }
0x27: {  	s1 =	sld [smem:$0x3FAF]  }
0x28: {  	s2 =	sld [smem:$0x3FB0]  }
0x29: {  	s4 =	sld [smem:$0x3FB2]  }
0x2a: {  	p0 =	seq.s32 s5, $0x0;
	s5 =	sld [smem:$0x3FB3]  }
0x2b: {  	s6 =	sld [smem:$0x3FB4]  }
0x2c: {  	s7 =	sld [smem:$0x3FB5]  }
0x2d: {  	s3 =	simm.s32 $0x108;
	s8 =	sld [smem:$0x3FB6]  }
0x2e: {  	s3 =	simm.s32 @!p0 $0x1082;
	s9 =	sld [smem:$0x3FB7]  }
0x2f: {  	lr =	sadd.s32 s0, s3;
	s0 =	sld [smem:$0x3FAE]  }
0x30: {  	s3 =	sld [smem:$0x3FB1]  }
0x31: {  	[smem:$0x3FBA] =	sst s10  }
0x32: {  	s10 =	sld [smem:$0x3FB8];
	_ =	sdelay $0x3  }
0x33: {  	p0 =	seq.s32 s10, $0x1;
	s10 =	sld [smem:$0x3FBA];
	_ =	sdelay $0x3  }
0x34: {  	[smem:$0x3FBA] =	sst s10  }
0x35: {  	s10 =	sld [smem:$0x3FB9];
	_ =	sdelay $0x3  }
0x36: {  	p1 =	seq.s32 s10, $0x1;
	s10 =	sld [smem:$0x3FBA];
	_ =	sdelay $0x3  }
0x37: {  	[smem:$0x3FBA] =	sst s10  }
0x38: {  	s10 =	sld [smem:$0x3FBB]  }
0x39: {  	_ = 	snop;
	(pc) =	sbr.ind lr, $3  }
0x3a: {  	_ = 	snop  }
0x3b: {  	_ = 	snop  }
0x3c: {  	p2 =	seq.s32 s10, $0x1;
	s10 =	sld [smem:$0x3FBA]  }
0x3d: {  	_ =	shalt  }
0x3e: {  	_ =	shalt  }
0x3f: {  	_ =	shalt  }
0x40: {  	_ =	shalt  }
0x41: {  	_ =	shalt  }
0x42: {  	_ =	shalt  }
0x43: {  	_ =	shalt  }
0x44: {  	_ =	shalt  }
0x45: {  	_ =	shalt  }
0x46: {  	_ =	shalt  }
0x47: {  	_ =	shalt  }
0x48: {  	_ =	shalt  }
0x49: {  	_ =	shalt  }
0x4a: {  	_ =	shalt  }
0x4b: {  	_ =	shalt  }
0x4c: {  	_ =	shalt  }
0x4d: {  	_ =	shalt  }
0x4e: {  	_ =	shalt  }
0x4f: {  	_ =	shalt  }
0x50: {  	_ =	shalt  }
0x51: {  	_ =	shalt  }
0x52: {  	_ =	shalt  }
0x53: {  	_ =	shalt  }
0x54: {  	_ =	shalt  }
0x55: {  	_ =	shalt  }
0x56: {  	_ =	shalt  }
0x57: {  	_ =	shalt  }
0x58: {  	_ =	shalt  }
0x59: {  	_ =	shalt  }
0x5a: {  	_ =	shalt  }
0x5b: {  	_ =	shalt  }
0x5c: {  	_ =	shalt  }
0x5d: {  	_ =	shalt  }
0x5e: {  	_ =	shalt  }
0x5f: {  	_ =	shalt  }
0x60: {  	_ =	shalt  }
0x61: {  	_ =	shalt  }
0x62: {  	_ =	shalt  }
0x63: {  	_ =	shalt  }
0x64: {  	_ =	shalt  }
0x65: {  	_ =	shalt  }
0x66: {  	_ =	shalt  }
0x67: {  	_ =	shalt  }
0x68: {  	_ =	shalt  }
0x69: {  	_ =	shalt  }
0x6a: {  	_ =	shalt  }
0x6b: {  	_ =	shalt  }
0x6c: {  	_ =	shalt  }
0x6d: {  	_ =	shalt  }
0x6e: {  	_ =	shalt  }
0x6f: {  	_ =	shalt  }
0x70: {  	_ =	shalt  }
0x71: {  	_ =	shalt  }
0x72: {  	_ =	shalt  }
0x73: {  	_ =	shalt  }
0x74: {  	_ =	shalt  }
0x75: {  	_ =	shalt  }
0x76: {  	_ =	shalt  }
0x77: {  	_ =	shalt  }
0x78: {  	_ =	shalt  }
0x79: {  	_ =	shalt  }
0x7a: {  	_ =	shalt  }
0x7b: {  	_ =	shalt  }
0x7c: {  	_ =	shalt  }
0x7d: {  	_ =	shalt  }
0x7e: {  	_ =	shalt  }
0x7f: {  	_ =	shalt  }
0x80: {  	_ =	shalt  }
0x81: {  	_ =	shalt  }
0x82: {  	_ =	shalt  }
0x83: {  	_ =	shalt  }
0x84: {  	_ =	shalt  }
0x85: {  	_ =	shalt  }
0x86: {  	_ =	shalt  }
0x87: {  	_ =	shalt  }
.Lfunc_end0:
.L_simem_size_0:
called_computation.1_lowered:
.L_overlay_start_0:
0x88: {  	s2 =	sld [smem:$0x3FD9]  }
0x89: {  	s3 =	sld [smem:$0x3FFE];
	_ =	sdelay $0x1  }
0x8a: {  	s1 =	srdreg.scid  }
0x8b: {  	s0 =	sand.u32 $0x1, s1  }
0x8c: {  	s17 =	sshll.u32 s0, $0xA;
	s2 =	sadd.s32 s3, s2  }
0x8d: {  	s2 =	sadd.s32 s2, s17  }
0x8e: {  	[smem:$0x3FC6] =	sst s2  }
0x8f: {  	_ = 	snop  }
0x90: {  	s2 =	sld [smem:$0x3FC9]  }
0x91: {  	s18 =	sld [smem:$0x3FD0];
	(tm) =	ssettm $0x1  }
0x92: {  	s4 =	sld [smem:$0x3FFB];
	_ =	sdelay $0x3  }
0x93: {  	_ =	strace s4  }
0x94: {  	s4 =	sld [smem:$0x3FFC];
	_ =	sdelay $0x3  }
0x95: {  	_ =	strace s4  }
0x96: {  	s4 =	sld [smem:$0x3FFD];
	_ =	sdelay $0x3  }
0x97: {  	_ =	strace s4  }
0x98: {  	_ =	strace $0x8FFFFFFF  }
0x99: {  	s19 =	sld [smem:$0x3FDB];
	_ =	sdelay $0x1  }
0x9a: {  	s5 =	simm.s32 $_scs_section_size  }
0x9b: {  	s6 =	simm.s32 $_size__tile_overlayer_lowered;
	s7 =	simm.s32 $_tile_overlayer_lowered  }
0x9c: {  	s22 =	simm.s32 $0x1BFF;
	s21 =	sshll.u32 s7, $0x1;
	s4 =	sadd.s32 s5, s19  }
0x9d: {  	s8 =	simm.s32 $0x0;
	s20 =	sshll.u32 s6, $0x1;
	s6 =	sadd.s32 s21, s4  }
0x9e: {  	[timem:s8], [sflag:s22] =	dma.local [hbm:s6], s20  }
0x9f: {  	_ =	swait.ge [sflag:s22], s20  }
0xa0: {  	s5 =	ssub.s32 $0x0, s20;
	[sflag:s22] =	ssyncset.done $0x0  }
0xa1: {  	[sflag:s22] =	ssyncadd.s32 s5;
	_ =	sdelay $0x1  }
0xa2: {  	s23 =	simm.s32 $0x1B8B  }
0xa3: {  	_ =	swait.ge [sflag:s23], $0x1  }
0xa4: {  	[sflag:s23] =	ssyncset.done $0x0  }
0xa5: {  	s25 =	simm.s32 $0x1B8E;
	s24 =	sld [smem:$0x3FFE];
	[sflag:s23] =	ssyncadd.s32 $0xFFFFFFFF  }
0xa6: {  	s26 =	simm.s32 $execute0_lowered;
	[smem:$0x3FD2] =	sst s25  }
0xa7: {  	s6 =	sshll.u32 s26, $0x1;
	_ =	strace $0x80000046;
	[dreg:$0x1] =	wrdreg $0xFFFFFFFF  }
0xa8: {  	s28 =	simm.s32 $_size_execute0_lowered;
	s4 =	sadd.s32 s4, s6;
	[dreg:$0x0] =	wrdreg $0x0  }
0xa9: {  	s6 =	sshll.u32 s28, $0x1;
	[dreg:$0x2] =	wrdreg s4  }
0xaa: {  	[dreg:$0x3] =	wrdreg s6  }
0xab: {  	[dreg:$0x4] =	wrdreg $0xC0  }
0xac: {  	_ =	task [dreg:s8], $0x5FFFF  }
0xad: {  	[dreg:$0x1] =	wrdreg $0xFFFFFFFF  }
0xae: {  	[dreg:$0x0] =	wrdreg $0x60  }
0xaf: {  	[dreg:$0x2] =	wrdreg s2  }
0xb0: {  	[dreg:$0x3] =	wrdreg s24  }
0xb1: {  	[dreg:$0x4] =	wrdreg s18  }
0xb2: {  	[dreg:$0x5] =	wrdreg $0x9  }
0xb3: {  	_ =	task.clear_ibuf [dreg:s8], $0x6FFFF;
	_ =	strace $0x90000046  }
0xb4: {  	s29 =	simm.s32 $0x9;
	_ =	strace $0x80000048  }
0xb5: {  	_ =	swait.ge [sflag:s29], $0x1  }
0xb6: {  	[sflag:s29] =	ssyncadd.s32 $0xFFFFFFFF  }
0xb7: {  	_ =	strace $0x90000048  }
0xb8: {  	_ =	sfence  }
0xb9: {  	s30 =	sld [smem:$0x0];
	_ =	sdelay $0x2  }
0xba: {  	s31 =	sshll.u32 s1, $0xD;
	s1 =	sshrl.u32 s1, $0x2  }
0xbb: {  	s3 =	sand.u32 $0x4000, s31;
	s1 =	sadd.s32 s1, s30  }
0xbc: {  	s0 =	sor.u32 s3, s0;
	s1 =	sshll.u32 s1, $0x11  }
0xbd: {  	s0 =	sor.u32 s1, s0  }
0xbe: {  	s0 =	sadd.s32 $0x8F2B, s0  }
0xbf: {  	[sflag:s0] =	ssyncadd.remote.s32 $0x1  }
0xc0: {  	_ =	sfence.sel $0xFFFF  }
0xc1: {  	[dreg:$0x0] =	wrdreg $0xFFFFFFFF;
	(pc) =	sbr.abs _section_cstart, $3  }
0xc2: {  	[dreg:$0x1] =	wrdreg $0xFFFFFFFF  }
0xc3: {  	_ =	task.clear_ibuf [dreg:s8], $0x2FFFF;
	_ =	strace $0x9FFFFFFF  }
0xc4: {  	(tm) =	ssettm $0x7FFFFFFF  }
0xc5: {  	_ =	shalt  }
tec
execute0_lowered:
.L_overlay_start_1:
0x0: {  	(tag) =	ssettag $0x1  }
0x1: {  	s0 =	rddreg [dreg:$0x0]  }
0x2: {  	s1 =	rddreg [dreg:$0x1];
	s3 =	simm.s32 $0x0  }
0x3: {  	s2 =	srdreg.scid;
	s9 =	stileid.u32;
	s13 =	simm.s32 $0x80  }
0x4: {  	s15 =	simm.s32 $0x5400;
	s17 =	simm.s32 $0x7400;
	s19 =	simm.s32 $0x9400  }
0x5: {  	s21 =	simm.s32 $0xB400;
	s23 =	simm.s32 $0xD400;
	s28 =	simm.s32 $0x11400  }
0x6: {  	s29 =	simm.s32 $0x1;
	s30 =	simm.s32 $0x2;
	s31 =	simm.s32 $0x3  }
0x7: {  	s16 =	simm.s32 $0x7;
	s18 =	simm.s32 $0x8;
	s12 =	simm.s32 $0x0  }
0x8: {  	[smem:$0x7FF] =	sst s3;
	s2 =	sand.u32 $0x1, s2;
	s5 =	smul.u32 $0xD0, s9  }
0x9: {  	s4 =	sshll.u32 s9, $0x1;
	s25 =	smul.u32 $0x34000, s9;
	_ =	strace $0x80000047  }
0xa: {  	s6 =	sor.u32 s2, s4;
	s7 =	smul.u32 $0x68, s2;
	s24 =	ssub.s32 $0x2, s2  }
0xb: {  	s4 =	sadd.s32 $0xF42C00, s1;
	s2 =	smul.u32 $0x1A000, s2;
	s8 =	sshrl.u32 s24, $0x1  }
0xc: {  	s6 =	smul.u32 $0x680, s6;
	s5 =	sadd.s32 s7, s5;
	s1 =	ssub.s32 s24, s8  }
.Ltmp0:
0xd: {  	s11 =	sadd.s32 s2, s25;
	s25 =	simm.s32 $0xF400;
	(pc) =	sbr.rel .LBB2_1-.Ltmp0, $4  }
0xe: {  	s2 =	simm.s32 $0x5;
	s5 =	sshll.u32 s5, $0xA;
	s0 =	sadd.s32 s0, s6  }
0xf: {  	s26 =	smax.u32 s1, $0x1;
	s1 =	simm.s32 $0x6;
	[dreg:$0x4] =	wrdreg s0  }
0x10: {  	[dreg:$0x5] =	wrdreg s26;
	s8 =	sor.u32 $0x800, s5;
	s9 =	sor.u32 $0x1800, s5  }
0x11: {  	s10 =	sor.u32 $0x1000, s5;
	s0 =	simm.s32 $0x4;
	s26 =	simm.s32 $0xC  }
.LBB2_4:
0x12: {  	s6 =	simm.s32 $0x9  }
0x13: {  	_ =	swait.ge [sflag:s6], $0x2000  }
0x14: {  	[sflag:s6] =	ssyncset.done $0x0  }
0x15: {  	s7 =	simm.s32 $0xA;
	[sflag:s6] =	ssyncadd.s32 $0xFFFFE000  }
0x16: {  	_ =	swait.ge [sflag:s7], $0x2000  }
0x17: {  	[sflag:s7] =	ssyncset.done $0x0  }
0x18: {  	s12 =	simm.s32 $0xB;
	[sflag:s7] =	ssyncadd.s32 $0xFFFFE000  }
0x19: {  	_ =	swait.ge [sflag:s12], $0x2000  }
0x1a: {  	[sflag:s12] =	ssyncset.done $0x0  }
0x1b: {  	[sflag:s12] =	ssyncadd.s32 $0xFFFFE000  }
0x1c: {  	_ =	swait.ge [sflag:s26], $0x2000  }
0x1d: {  	[sflag:s26] =	ssyncset.done $0x0  }
0x1e: {  	s14 =	simm.s32 $0xD;
	[sflag:s26] =	ssyncadd.s32 $0xFFFFE000  }
0x1f: {  	_ =	swait.ge [sflag:s14], $0x2000  }
0x20: {  	[sflag:s14] =	ssyncset.done $0x0  }
0x21: {  	s20 =	simm.s32 $0xE;
	[sflag:s14] =	ssyncadd.s32 $0xFFFFE000  }
0x22: {  	_ =	swait.ge [sflag:s20], $0x2000  }
0x23: {  	[sflag:s20] =	ssyncset.done $0x0  }
0x24: {  	s22 =	simm.s32 $0xF;
	[sflag:s20] =	ssyncadd.s32 $0xFFFFE000  }
0x25: {  	_ =	swait.ge [sflag:s22], $0x2000  }
0x26: {  	[sflag:s22] =	ssyncset.done $0x0  }
0x27: {  	s7 =	simm.s32 $0x10;
	[sflag:s22] =	ssyncadd.s32 $0xFFFFE000  }
0x28: {  	_ =	swait.ge [sflag:s7], $0x2000  }
0x29: {  	s12 =	rddreg [dreg:$0x6]  }
0x2a: {  	s24 =	rddreg [dreg:$0x5];
	s12 =	sadd.s32 $0x1, s12  }
0x2b: {  	p0 =	sne.s32 s12, s24  }
.Ltmp1:
0x2c: {  	_ = 	snop;
	(pc) =	sbr.rel @!p0 .LBB2_5-.Ltmp1, $3  }
0x2d: {  	_ =	sdelay $0x1  }
0x2e: {  	[sflag:s7] =	ssyncset.done $0x0  }
0x2f: {  	[sflag:s7] =	ssyncadd.s32 $0xFFFFE000  }
.LBB2_1:
0x30: {  	[dreg:$0x6] =	wrdreg s12  }
0x31: {  	s6 =	rddreg [dreg:$0x4];
	s22 =	simm.s32 $0x11  }
0x32: {  	[tilespmem:s3], [sflag:$0x11] =	stream.linear.gather [hbm4b:s6+s3], $0x3400, $0x38;
	[tilespmem:$0x13400] =	vst v63  }
0x33: {  	_ =	swait.ge [sflag:s22], $0x3400  }
0x34: {  	[sflag:s22] =	ssyncset.done $0x0  }
0x35: {  	s24 =	simm.s32 $0x3400;
	[sflag:s22] =	ssyncadd.s32 $0xFFFFCC00  }
0x36: {  	[tilespmem:s24], [sflag:$0x1] =	stream.indirect.gather [hbm4b:s4+s13], $0x40, s3, s13, $0xb8;
	[tilespmem:$0x13400] =	vst v63  }
0x37: {  	_ = 	snop  }
0x38: {  	[tilespmem:s15], [sflag:$0x2] =	stream.indirect.gather [hbm4b:s4+s13], $0x40, s13, s13, $0xb8;
	[tilespmem:$0x13400] =	vst v63  }
0x39: {  	s7 =	simm.s32 $0x100  }
0x3a: {  	[tilespmem:s17], [sflag:$0x3] =	stream.indirect.gather [hbm4b:s4+s13], $0x40, s7, s13, $0xb8;
	[tilespmem:$0x13400] =	vst v63  }
0x3b: {  	s12 =	simm.s32 $0x180  }
0x3c: {  	[tilespmem:s19], [sflag:$0x4] =	stream.indirect.gather [hbm4b:s4+s13], $0x40, s12, s13, $0xb8;
	[tilespmem:$0x13400] =	vst v63  }
0x3d: {  	s14 =	simm.s32 $0x200  }
0x3e: {  	[tilespmem:s21], [sflag:$0x5] =	stream.indirect.gather [hbm4b:s4+s13], $0x40, s14, s13, $0xb8;
	[tilespmem:$0x13400] =	vst v63  }
0x3f: {  	s20 =	simm.s32 $0x280  }
0x40: {  	[tilespmem:s23], [sflag:$0x6] =	stream.indirect.gather [hbm4b:s4+s13], $0x40, s20, s13, $0xb8;
	[tilespmem:$0x13400] =	vst v63  }
0x41: {  	s22 =	simm.s32 $0x300  }
0x42: {  	[tilespmem:s25], [sflag:$0x7] =	stream.indirect.gather [hbm4b:s4+s13], $0x40, s22, s13, $0xb8;
	[tilespmem:$0x13400] =	vst v63  }
0x43: {  	s24 =	simm.s32 $0x380  }
0x44: {  	[tilespmem:s28], [sflag:$0x8] =	stream.indirect.gather [hbm4b:s4+s13], $0x40, s24, s13, $0xb8;
	[tilespmem:$0x13400] =	vst v63  }
0x45: {  	s6 =	simm.s32 $0x0;
	s24 =	rddreg [dreg:$0x2]  }
.LBB2_2:
0x46: {  	_ =	swait.ge [sflag:s29], $0x2000  }
0x47: {  	s7 =	sadd.s32 s24, s11;
	[sflag:s29] =	ssyncset.done $0x0  }
0x48: {  	s12 =	simm.s32 $0x3400;
	p0 =	seq.s32 s6, $0x0;
	[sflag:s29] =	ssyncadd.s32 $0xFFFFE000  }
0x49: {  	[hbm4b:s7+s3] =	stream.linear.scatter [tilespmem:s12], [sflag:$0x9], $0x2000, $0x38;
	[tilespmem:$0x13400] =	vst v63  }
0x4a: {  	s7 =	simm.s32 @!p0 $0xD  }
0x4b: {  	_ =	swait.ge @!p0 [sflag:s7], $0x2000  }
0x4c: {  	s20 =	simm.s32 @!p0 $0x80;
	s12 =	sshra.s32 @!p0 s6, $0x2;
	[sflag:s7] =	ssyncset.done @!p0 $0x0  }
0x4d: {  	s22 =	simm.s32 @!p0 $0xB400;
	[sflag:s7] =	ssyncadd.s32 @!p0 $0xFFFFE000;
	s7 =	sadd.s32 @!p0 $0x200, s12  }
0x4e: {  	[tilespmem:s22], [sflag:$0x5] =	stream.indirect.gather @!p0 [hbm4b:s4+s20], $0x40, s7, s20, $0xb8;
	[tilespmem:$0x13400] =	vst v63  }
0x4f: {  	_ =	swait.ge [sflag:s30], $0x2000  }
0x50: {  	s7 =	sadd.s32 s24, s5;
	[sflag:s30] =	ssyncset.done $0x0  }
0x51: {  	s22 =	simm.s32 @!p0 $0xE;
	s14 =	sadd.s32 $0x400, s7;
	[sflag:s30] =	ssyncadd.s32 $0xFFFFE000  }
0x52: {  	[hbm4b:s14+s3] =	stream.linear.scatter [tilespmem:s15], [sflag:$0xA], $0x2000, $0x38;
	[tilespmem:$0x13400] =	vst v63  }
0x53: {  	_ =	swait.ge @!p0 [sflag:s22], $0x2000  }
0x54: {  	[sflag:s22] =	ssyncset.done @!p0 $0x0  }
0x55: {  	s14 =	simm.s32 @!p0 $0xD400;
	[sflag:s22] =	ssyncadd.s32 @!p0 $0xFFFFE000;
	s22 =	sadd.s32 @!p0 $0x280, s12  }
0x56: {  	[tilespmem:s14], [sflag:$0x6] =	stream.indirect.gather @!p0 [hbm4b:s4+s20], $0x40, s22, s20, $0xb8;
	[tilespmem:$0x13400] =	vst v63  }
0x57: {  	_ =	swait.ge [sflag:s31], $0x2000  }
0x58: {  	[sflag:s31] =	ssyncset.done $0x0  }
0x59: {  	s22 =	sadd.s32 s24, s8;
	s14 =	simm.s32 @!p0 $0xF;
	[sflag:s31] =	ssyncadd.s32 $0xFFFFE000  }
0x5a: {  	[hbm4b:s22+s3] =	stream.linear.scatter [tilespmem:s17], [sflag:$0xB], $0x2000, $0x38;
	[tilespmem:$0x13400] =	vst v63  }
0x5b: {  	_ =	swait.ge @!p0 [sflag:s14], $0x2000  }
0x5c: {  	[sflag:s14] =	ssyncset.done @!p0 $0x0  }
0x5d: {  	s22 =	simm.s32 @!p0 $0xF400;
	[sflag:s14] =	ssyncadd.s32 @!p0 $0xFFFFE000;
	s14 =	sadd.s32 @!p0 $0x300, s12  }
0x5e: {  	[tilespmem:s22], [sflag:$0x7] =	stream.indirect.gather @!p0 [hbm4b:s4+s20], $0x40, s14, s20, $0xb8;
	[tilespmem:$0x13400] =	vst v63  }
0x5f: {  	_ =	swait.ge [sflag:s0], $0x2000  }
0x60: {  	[sflag:s0] =	ssyncset.done $0x0  }
0x61: {  	s22 =	sadd.s32 $0xC00, s7;
	s14 =	simm.s32 @!p0 $0x10;
	[sflag:s0] =	ssyncadd.s32 $0xFFFFE000  }
0x62: {  	[hbm4b:s22+s3] =	stream.linear.scatter [tilespmem:s19], [sflag:$0xC], $0x2000, $0x38;
	[tilespmem:$0x13400] =	vst v63  }
0x63: {  	_ =	swait.ge @!p0 [sflag:s14], $0x2000  }
0x64: {  	[sflag:s14] =	ssyncset.done @!p0 $0x0  }
0x65: {  	s12 =	sadd.s32 @!p0 $0x380, s12;
	[sflag:s14] =	ssyncadd.s32 @!p0 $0xFFFFE000;
	s14 =	simm.s32 @!p0 $0x11400  }
0x66: {  	[tilespmem:s14], [sflag:$0x8] =	stream.indirect.gather @!p0 [hbm4b:s4+s20], $0x40, s12, s20, $0xb8;
	[tilespmem:$0x13400] =	vst v63  }
0x67: {  	_ =	swait.ge [sflag:s2], $0x2000  }
0x68: {  	p0 =	seq.s32 s6, $0xC000;
	[sflag:s2] =	ssyncset.done $0x0  }
0x69: {  	s20 =	sadd.s32 s24, s10;
	s12 =	simm.s32 @!p0 $0x9;
	[sflag:s2] =	ssyncadd.s32 $0xFFFFE000  }
0x6a: {  	[hbm4b:s20+s3] =	stream.linear.scatter [tilespmem:s21], [sflag:$0xD], $0x2000, $0x38;
	[tilespmem:$0x13400] =	vst v63  }
0x6b: {  	_ =	swait.ge @!p0 [sflag:s12], $0x2000  }
0x6c: {  	[sflag:s12] =	ssyncset.done @!p0 $0x0  }
0x6d: {  	[sflag:s12] =	ssyncadd.s32 @!p0 $0xFFFFE000;
	s12 =	sshra.s32 @!p0 s6, $0x2  }
0x6e: {  	s22 =	simm.s32 @!p0 $0x3400;
	s20 =	simm.s32 @!p0 $0x80;
	s14 =	sadd.s32 @!p0 $0x400, s12  }
0x6f: {  	[tilespmem:s22], [sflag:$0x1] =	stream.indirect.gather @!p0 [hbm4b:s4+s20], $0x40, s14, s20, $0xb8;
	[tilespmem:$0x13400] =	vst v63  }
0x70: {  	_ =	swait.ge [sflag:s1], $0x2000  }
0x71: {  	[sflag:s1] =	ssyncset.done $0x0  }
0x72: {  	s22 =	sadd.s32 $0x1400, s7;
	s14 =	simm.s32 @!p0 $0xA;
	[sflag:s1] =	ssyncadd.s32 $0xFFFFE000  }
0x73: {  	[hbm4b:s22+s3] =	stream.linear.scatter [tilespmem:s23], [sflag:$0xE], $0x2000, $0x38;
	[tilespmem:$0x13400] =	vst v63  }
0x74: {  	_ =	swait.ge @!p0 [sflag:s14], $0x2000  }
0x75: {  	[sflag:s14] =	ssyncset.done @!p0 $0x0  }
0x76: {  	s22 =	simm.s32 @!p0 $0x5400;
	[sflag:s14] =	ssyncadd.s32 @!p0 $0xFFFFE000;
	s14 =	sadd.s32 @!p0 $0x480, s12  }
0x77: {  	[tilespmem:s22], [sflag:$0x2] =	stream.indirect.gather @!p0 [hbm4b:s4+s20], $0x40, s14, s20, $0xb8;
	[tilespmem:$0x13400] =	vst v63  }
0x78: {  	_ =	swait.ge [sflag:s16], $0x2000  }
0x79: {  	[sflag:s16] =	ssyncset.done $0x0  }
0x7a: {  	s22 =	sadd.s32 s24, s9;
	s14 =	simm.s32 @!p0 $0xB;
	[sflag:s16] =	ssyncadd.s32 $0xFFFFE000  }
0x7b: {  	[hbm4b:s22+s3] =	stream.linear.scatter [tilespmem:s25], [sflag:$0xF], $0x2000, $0x38;
	[tilespmem:$0x13400] =	vst v63  }
0x7c: {  	_ =	swait.ge @!p0 [sflag:s14], $0x2000  }
0x7d: {  	[sflag:s14] =	ssyncset.done @!p0 $0x0  }
0x7e: {  	s12 =	sadd.s32 @!p0 $0x500, s12;
	[sflag:s14] =	ssyncadd.s32 @!p0 $0xFFFFE000;
	s14 =	simm.s32 @!p0 $0x7400  }
0x7f: {  	[tilespmem:s14], [sflag:$0x3] =	stream.indirect.gather @!p0 [hbm4b:s4+s20], $0x40, s12, s20, $0xb8;
	[tilespmem:$0x13400] =	vst v63  }
.Ltmp2:
0x80: {  	_ = 	snop;
	(pc) =	sbr.rel @p0 .LBB2_4-.Ltmp2, $4  }
0x81: {  	_ =	swait.ge [sflag:s18], $0x2000  }
0x82: {  	[sflag:s18] =	ssyncset.done $0x0  }
0x83: {  	s7 =	sadd.s32 $0x1C00, s7;
	[sflag:s18] =	ssyncadd.s32 $0xFFFFE000  }
0x84: {  	[hbm4b:s7+s3] =	stream.linear.scatter [tilespmem:s28], [sflag:$0x10], $0x2000, $0x38;
	[tilespmem:$0x13400] =	vst v63  }
.Ltmp3:
0x85: {  	(pc) =	sbr.rel .LBB2_2-.Ltmp3, $4  }
0x86: {  	_ =	swait.ge [sflag:s26], $0x2000  }
0x87: {  	s7 =	sshra.s32 s6, $0x2;
	s6 =	sadd.s32 $0x1000, s6;
	[sflag:s26] =	ssyncset.done $0x0  }
0x88: {  	s24 =	sadd.s32 $0x2000, s24;
	s7 =	sadd.s32 $0x580, s7;
	[sflag:s26] =	ssyncadd.s32 $0xFFFFE000  }
0x89: {  	[tilespmem:s19], [sflag:$0x4] =	stream.indirect.gather [hbm4b:s4+s13], $0x40, s7, s13, $0xb8;
	[tilespmem:$0x13400] =	vst v63  }
.LBB2_5:
0x8a: {  	_ =	sfence.sel $0x180000  }
0x8b: {  	[bflag:$0x0] =	sbarrier.arrive $0xFFFF  }
0x8c: {  	_ =	strace $0x90000047  }
0x8d: {  	s0 =	stileid.u32;
	[bflag:$0x2] =	sbarrier.arrive $0xFFFF  }
0x8e: {  	p0 =	sne.s32 s0, $0x0;
	s0 =	rddreg [dreg:$0x3]  }
0x8f: {  	s0 =	sadd.s32 @!p0 $0x100000, s0  }
0x90: {  	[sflag:s0] =	ssyncadd.tile.s32 @!p0 $0x1;
	_ =	shalt  }
.Lfunc_end2:
_tile_overlayer_lowered:
.L_overlay_start_2:
0x91: {  	(tag) =	ssettag $0x2  }
0x92: {  	s0 =	rddreg [dreg:$0x0];
	s2 =	stileid.u32  }
0x93: {  	s1 =	rddreg [dreg:$0x1];
	p0 =	sne.s32 s2, $0x0  }
0x94: {  	s3 =	rddreg [dreg:$0x2];
	[bflag:$0x3] =	sbarrier.arrive $0xFFFF;
	s2 =	simm.s32 @!p0 $0x1C11  }
0x95: {  	[timem:s3], [sflag:s2] =	dma.local @!p0 [hbm:s0], s1  }
0x96: {  	s0 =	simm.s32 @!p0 $0x11  }
0x97: {  	_ =	swait.ge @!p0 [sflag:s0], s1  }
0x98: {  	s1 =	ssub.s32 @!p0 $0x0, s1;
	[sflag:s0] =	ssyncset.done @!p0 $0x0  }
0x99: {  	[sflag:s0] =	ssyncadd.s32 @!p0 s1  }
0x9a: {  	[bflag:$0x3] =	sbarrier.arrive $0xFFFF  }
0x9b: {  	_ =	shalt  }

// kernel: sparse-core-data-format-call.cloned.1.call-start
scs
called_computation_lowered:
.L_overlay_start_0:
0x0: {  	s2 =	sld [smem:$0x3FD9]  }
0x1: {  	s3 =	sld [smem:$0x3FFE];
	_ =	sdelay $0x1  }
0x2: {  	s1 =	srdreg.scid  }
0x3: {  	s0 =	sand.u32 $0x1, s1  }
0x4: {  	s18 =	sshll.u32 s0, $0xA;
	s2 =	sadd.s32 s3, s2  }
0x5: {  	s2 =	sadd.s32 s2, s18  }
0x6: {  	[smem:$0x3FC6] =	sst s2  }
0x7: {  	_ = 	snop  }
0x8: {  	s2 =	sld [smem:$0x3FD0];
	(tm) =	ssettm $0x1  }
0x9: {  	s19 =	sld [smem:$0x3FFB];
	_ =	sdelay $0x3  }
0xa: {  	_ =	strace s19  }
0xb: {  	s3 =	sld [smem:$0x3FFC];
	_ =	sdelay $0x3  }
0xc: {  	_ =	strace s3  }
0xd: {  	s3 =	sld [smem:$0x3FFD];
	_ =	sdelay $0x3  }
0xe: {  	_ =	strace s3  }
0xf: {  	_ =	strace $0x8FFFFFFF  }
0x10: {  	s20 =	sld [smem:$0x3FDB];
	_ =	sdelay $0x1  }
0x11: {  	s4 =	simm.s32 $_scs_section_size  }
0x12: {  	s5 =	simm.s32 $_size__tile_overlayer_lowered;
	s6 =	simm.s32 $_tile_overlayer_lowered  }
0x13: {  	s23 =	simm.s32 $0x1BFF;
	s22 =	sshll.u32 s6, $0x1;
	s3 =	sadd.s32 s4, s20  }
0x14: {  	s7 =	simm.s32 $0x0;
	s21 =	sshll.u32 s5, $0x1;
	s5 =	sadd.s32 s22, s3  }
0x15: {  	[timem:s7], [sflag:s23] =	dma.local [hbm:s5], s21  }
0x16: {  	_ =	swait.ge [sflag:s23], s21  }
0x17: {  	s4 =	ssub.s32 $0x0, s21;
	[sflag:s23] =	ssyncset.done $0x0  }
0x18: {  	[sflag:s23] =	ssyncadd.s32 s4;
	_ =	sdelay $0x1  }
0x19: {  	s24 =	simm.s32 $0x1B8B  }
0x1a: {  	_ =	swait.ge [sflag:s24], $0x1  }
0x1b: {  	[sflag:s24] =	ssyncset.done $0x0  }
0x1c: {  	s26 =	simm.s32 $0x1B8E;
	s25 =	sld [smem:$0x3FFE];
	[sflag:s24] =	ssyncadd.s32 $0xFFFFFFFF  }
0x1d: {  	s27 =	simm.s32 $execute0_lowered;
	[smem:$0x3FD2] =	sst s26  }
0x1e: {  	s5 =	sshll.u32 s27, $0x1;
	_ =	strace $0x80000049;
	[dreg:$0x1] =	wrdreg $0xFFFFFFFF  }
0x1f: {  	s28 =	simm.s32 $_size_execute0_lowered;
	s3 =	sadd.s32 s3, s5;
	[dreg:$0x0] =	wrdreg $0x0  }
0x20: {  	s5 =	sshll.u32 s28, $0x1;
	[dreg:$0x2] =	wrdreg s3  }
0x21: {  	[dreg:$0x3] =	wrdreg s5  }
0x22: {  	[dreg:$0x4] =	wrdreg $0xC0  }
0x23: {  	_ =	task [dreg:s7], $0x5FFFF  }
0x24: {  	[dreg:$0x1] =	wrdreg $0xFFFFFFFF  }
0x25: {  	[dreg:$0x0] =	wrdreg $0x60  }
0x26: {  	[dreg:$0x2] =	wrdreg s25  }
0x27: {  	[dreg:$0x3] =	wrdreg s2  }
0x28: {  	[dreg:$0x4] =	wrdreg $0x9  }
0x29: {  	_ =	task.clear_ibuf [dreg:s7], $0x5FFFF;
	_ =	strace $0x90000049  }
0x2a: {  	s29 =	simm.s32 $0x9;
	_ =	strace $0x8000004B  }
0x2b: {  	_ =	swait.ge [sflag:s29], $0x1  }
0x2c: {  	[sflag:s29] =	ssyncadd.s32 $0xFFFFFFFF  }
0x2d: {  	_ =	strace $0x9000004B  }
0x2e: {  	_ =	sfence  }
0x2f: {  	s30 =	sld [smem:$0x0];
	_ =	sdelay $0x2  }
0x30: {  	s31 =	sshll.u32 s1, $0xD;
	s1 =	sshrl.u32 s1, $0x2  }
0x31: {  	s3 =	sand.u32 $0x4000, s31;
	s1 =	sadd.s32 s1, s30  }
0x32: {  	s0 =	sor.u32 s3, s0;
	s1 =	sshll.u32 s1, $0x11  }
0x33: {  	s0 =	sor.u32 s1, s0  }
0x34: {  	s0 =	sadd.s32 $0x8F2B, s0  }
0x35: {  	[sflag:s0] =	ssyncadd.remote.s32 $0x1  }
0x36: {  	_ =	sfence.sel $0xFFFF  }
0x37: {  	[dreg:$0x0] =	wrdreg $0xFFFFFFFF;
	(pc) =	sbr.abs _section_cstart, $3  }
0x38: {  	[dreg:$0x1] =	wrdreg $0xFFFFFFFF  }
0x39: {  	_ =	task.clear_ibuf [dreg:s7], $0x2FFFF;
	_ =	strace $0x9FFFFFFF  }
0x3a: {  	(tm) =	ssettm $0x7FFFFFFF  }
0x3b: {  	_ =	shalt  }
tec
execute0_lowered:
.L_overlay_start_1:
0x0: {  	(tag) =	ssettag $0x1  }
0x1: {  	s0 =	srdreg.scid  }
0x2: {  	s1 =	sshll.u32 s0, $0x4  }
0x3: {  	s4 =	rddreg [dreg:$0x0];
	s0 =	stileid.u32;
	s1 =	sand.u32 $0x10, s1  }
0x4: {  	s2 =	rddreg [dreg:$0x1];
	s7 =	simm.s32 $0x1;
	s1 =	sor.u32 s0, s1  }
0x5: {  	s8 =	simm.s32 $0x2;
	s11 =	simm.s32 $0x0;
	s3 =	sshll.u32 s1, $0x1  }
0x6: {  	s10 =	simm.s32 $0x0;
	s4 =	sadd.s32 $0x800, s4;
	s6 =	ssub.s32 $0xD00, s3  }
.Ltmp0:
0x7: {  	s1 =	rddreg [dreg:$0x2];
	s5 =	sand.u32 $0x3E, s6;
	(pc) =	sbr.rel .LBB1_1-.Ltmp0, $4  }
0x8: {  	_ =	strace $0x8000004A;
	s9 =	smov.u32 s3;
	p0 =	sne.s32 s5, $0x0  }
0x9: {  	s6 =	sshrl.u32 s6, $0x6;
	s5 =	simm.s32 $0x1;
	s7 =	simm.s32 @!p0 $0x0  }
0xa: {  	[sflag:s5] =	ssyncpa.u1 $0x0;
	p0 =	por $0x0, $0x0;
	s6 =	sadd.s32 s7, s6  }
0xb: {  	[sflag:s8] =	ssyncpa.u1 $0x0;
	s8 =	simm.s32 $0x0;
	s7 =	sadd.s32 $0x1, s6  }
.LBB1_7:
0xc: {  	s13 =	sadd.s32 $0x40, s9  }
0xd: {  	p2 =	sgt.s32 s13, $0xCFF  }
0xe: {  	s13 =	smov.u32 @p2 s3;
	p2 =	sne.s32 s10, s7  }
.Ltmp1:
0xf: {  	p1 =	slt.u32 s10, $0x2;
	(pc) =	sbr.rel @!p2 .LBB1_8-.Ltmp1, $4  }
0x10: {  	s12 =	simm.s32 @!p1 $0x2  }
0x11: {  	s14 =	sadd.s32 $0x1, s10;
	_ =	swait.ge @!p1 [sflag:s12], $0x4000  }
0x12: {  	s11 =	smov.u32 s9;
	p0 =	por !p0, !p0;
	[sflag:s12] =	ssyncset.done @!p1 $0x0  }
0x13: {  	s10 =	smov.u32 s14;
	s9 =	smov.u32 s13;
	[sflag:s12] =	ssyncadd.s32 @!p1 $0xFFFFC000  }
.LBB1_1:
0x14: {  	p1 =	sge.u32 s10, s6  }
0x15: {  	s31 =	sadd.s32 $0xFFFFFFFF, s10;
	s12 =	sxor.u32 @!p1 $0xFFFFFFFF, s10  }
0x16: {  	s13 =	sshll.u32 @!p1 s9, $0xB;
	s14 =	simm.s32 @!p1 $0x40;
	s12 =	sshll.u32 @!p1 s12, $0xE  }
0x17: {  	s15 =	simm.s32 @!p1 $0x80;
	s13 =	sadd.s32 @!p1 s4, s13;
	s12 =	sand.u32 @!p1 $0x4000, s12  }
0x18: {  	[tilespmem:s12], [sflag:$0x1] =	stream.strided.gather @!p1 [hbm4b:s13+s14], $0x4000, s15, s14, $0x38;
	[tilespmem:$0x10100] =	vst v63  }
0x19: {  	p1 =	sge.u32 s31, s6  }
.Ltmp2:
0x1a: {  	_ = 	snop;
	(pc) =	sbr.rel @p1 .LBB1_7-.Ltmp2, $1  }
0x1b: {  	_ =	sdelay $0x3  }
0x1c: {  	s12 =	simm.s32 $0x1;
	s14 =	sand.u32 $0x1, s10  }
0x1d: {  	_ =	swait.ge [sflag:s5], $0x4000;
	s12 =	simm.s32 @!p0 $0x0;
	s14 =	smul.u32 $0x10200, s14  }
0x1e: {  	p2 =	por $0x1, $0x1;
	[sflag:s5] =	ssyncset.done $0x0;
	s13 =	smul.u32 $0x10200, s12  }
0x1f: {  	s15 =	sshll.u32 s12, $0x10;
	[sflag:s5] =	ssyncadd.s32 $0xFFFFC000;
	s30 =	sshrl.u32 s14, $0x2  }
0x20: {  	s31 =	sshrl.u32 s15, $0x2;
	s15 =	simm.s32 $0x0;
	s13 =	sshrl.u32 s13, $0x2  }
0x21: {  	s12 =	sor.u32 $0x8000, s30;
	s14 =	sadd.s32 $0x20, s31;
	s13 =	sor.u32 $0x8000, s13  }
.LBB1_3:
0x22: {  	s16 =	sshll.u32 s15, $0xD  }
0x23: {  	s16 =	sand.u32 $0x3FFFE000, s16  }
0x24: {  	s18 =	sadd.s32 s16, s14  }
0x25: {  	s31 =	smul.u32 $0x8100, s15;
	v3 =	vld [tilespmem:s18+$0x10]  }
0x26: {  	v1 =	vld [tilespmem:s18+$0xFFFFFFF0]  }
0x27: {  	s15 =	sshra.s32 s31, $0x2;
	v0 =	vld [tilespmem:s18+$0x0]  }
0x28: {  	s15 =	sadd.s32 s15, s13;
	v2 =	vld [tilespmem:s18+$0xFFFFFFE0]  }
0x29: {  	s16 =	sadd.s32 $0x0, s15  }
0x2a: {  	p1 =	por p2, p2;
	s17 =	simm.s32 $0x4;
	s18 =	sadd.s32 $0x40, s18;
	[tilespmem:s16+$0x1830 ss:$0x81] =	vst.msk $0xffff, v3  }
.LBB1_4:
0x2b: {  	v3 =	vld [tilespmem:s18+$0x10];
	p2 =	sne.s32 s17, $0x1FC;
	[tilespmem:s16+$0x810 ss:$0x81] =	vst.msk $0xffff, v1;
	s19 =	smov.u32 s17;
	s17 =	sadd.s32 $0x4, s17  }
.Ltmp3:
0x2c: {  	v1 =	vld [tilespmem:s18+$0xFFFFFFF0];
	[tilespmem:s16+$0x1020 ss:$0x81] =	vst.msk $0xffff, v0;
	(pc) =	sbr.rel @p2 .LBB1_4-.Ltmp3, $4  }
0x2d: {  	v0 =	vld [tilespmem:s18+$0x0];
	[tilespmem:s16+$0x0 ss:$0x81] =	vst.msk $0xffff, v2  }
0x2e: {  	s16 =	sshra.s32 s19, $0x2;
	v2 =	vld [tilespmem:s18+$0xFFFFFFE0]  }
0x2f: {  	s16 =	sadd.s32 s16, s15  }
0x30: {  	s18 =	sadd.s32 $0x40, s18;
	[tilespmem:s16+$0x1830 ss:$0x81] =	vst.msk $0xffff, v3  }
.Ltmp4:
0x31: {  	(pc) =	sbr.rel @p1 .LBB1_3-.Ltmp4, $4  }
0x32: {  	_ = 	snop  }
0x33: {  	[tilespmem:s16+$0x810 ss:$0x81] =	vst.msk $0xffff, v1  }
0x34: {  	[tilespmem:s16+$0x1020 ss:$0x81] =	vst.msk $0xffff, v0  }
0x35: {  	s15 =	simm.s32 $0x1;
	p2 =	por $0x0, $0x0;
	[tilespmem:s16+$0x0 ss:$0x81] =	vst.msk $0xffff, v2  }
.Ltmp5:
0x36: {  	(pc) =	sbr.rel .LBB1_7-.Ltmp5, $4  }
0x37: {  	_ = 	snop  }
0x38: {  	s11 =	sshll.u32 s11, $0xA  }
0x39: {  	s11 =	sadd.s32 s2, s11  }
0x3a: {  	[hbm4b:s11+s8] =	stream.linear.scatter [tilespmem:s12], [sflag:$0x2], $0x4000, $0x20;
	[tilespmem:$0x10100] =	vst v63  }
.LBB1_8:
0x3b: {  	_ =	sfence.sel $0x180000  }
0x3c: {  	s2 =	simm.s32 $0x1;
	[bflag:$0x0] =	sbarrier.arrive $0xFFFF  }
0x3d: {  	s31 =	simm.s32 $0x2;
	[sflag:s2] =	ssyncpa.u1 $0x1  }
0x3e: {  	[sflag:s31] =	ssyncpa.u1 $0x1  }
0x3f: {  	p0 =	sne.s32 s0, $0x0;
	_ =	strace $0x9000004A  }
0x40: {  	s0 =	sadd.s32 @!p0 $0x100000, s1;
	[bflag:$0x2] =	sbarrier.arrive $0xFFFF  }
0x41: {  	[sflag:s0] =	ssyncadd.tile.s32 @!p0 $0x1;
	_ =	shalt  }
.Lfunc_end1:
_tile_overlayer_lowered:
.L_overlay_start_2:
0x42: {  	(tag) =	ssettag $0x2  }
0x43: {  	s0 =	rddreg [dreg:$0x0];
	s2 =	stileid.u32  }
0x44: {  	s1 =	rddreg [dreg:$0x1];
	p0 =	sne.s32 s2, $0x0  }
0x45: {  	s3 =	rddreg [dreg:$0x2];
	[bflag:$0x3] =	sbarrier.arrive $0xFFFF;
	s2 =	simm.s32 @!p0 $0x1C01  }
0x46: {  	[timem:s3], [sflag:s2] =	dma.local @!p0 [hbm:s0], s1  }
0x47: {  	s0 =	simm.s32 @!p0 $0x1  }
0x48: {  	_ =	swait.ge @!p0 [sflag:s0], s1  }
0x49: {  	s1 =	ssub.s32 @!p0 $0x0, s1;
	[sflag:s0] =	ssyncset.done @!p0 $0x0  }
0x4a: {  	[sflag:s0] =	ssyncadd.s32 @!p0 s1  }
0x4b: {  	[bflag:$0x3] =	sbarrier.arrive $0xFFFF  }
0x4c: {  	_ =	shalt  }

</sc_bundles>
